<compile_context>
chip_gen: v7x
topology: tpu7x:2x2x1
jax: 0.10.2.dev20260603
libtpu: 0.0.44.dev20260713+nightly
codegen_flags: <defaults>
</compile_context>

<pallas_src>
import jax
import jax.numpy as jnp
from jax import lax
from jax.experimental import pallas as pl
from jax.experimental.pallas import tpu as pltpu
from jax.experimental.pallas import tpu_sc as plsc

_N = 131072
_B = 4096
_K = 100


_LC = 16384


def _peratom_body(logits_ref, h0_ref, pred_ref, targ_ref, s_ref):
    x = logits_ref[...]
    m = jnp.max(x, axis=0, keepdims=True)
    se = jnp.sum(jnp.exp(x - m), axis=0, keepdims=True)
    logz = jnp.log(se) + m
    rows = lax.broadcasted_iota(jnp.int32, x.shape, 0)
    picked = jnp.sum(jnp.where(rows == h0_ref[...], x, 0.0), axis=0,
                     keepdims=True)
    d = targ_ref[...] - pred_ref[...]
    sq = jnp.sum(d * d, axis=0, keepdims=True)
    s_ref[...] = ((logz - picked) + sq)[0]


def _stage1(logits_t, h0_row, pred_t, targ_t, off, n):
    nb = off // _LC
    return pl.pallas_call(
        _peratom_body,
        grid=(n // _LC,),
        in_specs=[
            pl.BlockSpec((_K, _LC), lambda i: (0, i + nb)),
            pl.BlockSpec((_LC,), lambda i: (i + nb,)),
            pl.BlockSpec((3, _LC), lambda i: (0, i + nb)),
            pl.BlockSpec((3, _LC), lambda i: (0, i + nb)),
        ],
        out_specs=pl.BlockSpec((_LC,), lambda i: (i,)),
        out_shape=jax.ShapeDtypeStruct((n,), jnp.float32),
    )(logits_t, h0_row, pred_t, targ_t)



_NC = 2
_NS = 16
_NW = _NC * _NS
_SEG_T = _B // _NS


def _make_sc_body(apt, off):
    def _sc_body(idx_hbm, val_hbm, out_hbm, idx_flat, val_flat, zeros_v,
                 shared, sem):
        c = lax.axis_index("c")
        t = lax.axis_index("s")
        wid = c * _NS + t

        pltpu.sync_copy(idx_hbm.at[pl.ds(off + wid * apt, apt)], idx_flat)
        pltpu.sync_copy(val_hbm.at[pl.ds(wid * apt, apt)], val_flat)

        for i in range(_SEG_T // 16):
            zeros_v[pl.ds(i * 16, 16)] = jnp.zeros((16,), jnp.float32)

        pltpu.sync_copy(zeros_v, shared.at[pl.ds(t * _SEG_T, _SEG_T)])
        plsc.subcore_barrier()

        pltpu.async_copy(val_flat, shared.at[idx_flat], sem, add=True).wait()
        plsc.subcore_barrier()

        pltpu.sync_copy(shared.at[pl.ds(t * _SEG_T, _SEG_T)],
                        out_hbm.at[c, pl.ds(t * _SEG_T, _SEG_T)])

    return _sc_body


def _segscat(idx_flat, val_flat, off=0):
    apt = val_flat.shape[0] // _NW
    mesh = plsc.VectorSubcoreMesh(core_axis_name="c", subcore_axis_name="s")
    f = pl.kernel(
        _make_sc_body(apt, off),
        mesh=mesh,
        out_type=jax.ShapeDtypeStruct((_NC, _B), jnp.float32),
        scratch_types=[
            pltpu.VMEM((apt,), jnp.int32),
            pltpu.VMEM((apt,), jnp.float32),
            pltpu.VMEM((_SEG_T,), jnp.float32),
            pltpu.VMEM_SHARED((_B,), jnp.float32),
            pltpu.SemaphoreType.DMA,
        ],
    )
    return f(idx_flat, val_flat)




def _combine_body(sums_ref, cnts_ref, svp_ref, svt_ref,
                  latp_ref, latt_ref, out_ref):
    ssum = sums_ref[0:1, :] + sums_ref[1:2, :]
    cnt = jnp.maximum(cnts_ref[0:1, :] + cnts_ref[1:2, :], 1.0)
    exh = jnp.sum(ssum / cnt) * (1.0 / _B)

    dsv = svp_ref[...] - svt_ref[...]
    err_sv = jnp.sum(dsv * dsv) * (1.0 / (_B * 6))

    acc = jnp.float32(0.0)
    for g in range(3):
        p2 = (latp_ref[3 * g:3 * g + 1, :] ** 2
              + latp_ref[3 * g + 1:3 * g + 2, :] ** 2
              + latp_ref[3 * g + 2:3 * g + 3, :] ** 2)
        t2 = (latt_ref[3 * g:3 * g + 1, :] ** 2
              + latt_ref[3 * g + 1:3 * g + 2, :] ** 2
              + latt_ref[3 * g + 2:3 * g + 3, :] ** 2)
        dl = jnp.sqrt(p2 + 1e-12) - jnp.sqrt(t2 + 1e-12)
        acc = acc + jnp.sum(dl * dl)
    err_len = acc * (1.0 / (_B * 3))

    out_ref[0, 0] = exh + err_sv + err_len


def _combine(sums, cnts, svp, svt, latp, latt):
    return pl.pallas_call(
        _combine_body,
        out_specs=pl.BlockSpec(memory_space=pltpu.SMEM),
        out_shape=jax.ShapeDtypeStruct((1, 1), jnp.float32),
    )(sums, cnts, svp, svt, latp, latt)




def kernel(pred_frac_eps_x, target_frac_eps_x, predicted_h0_logits,
           pred_symmetric_vector_noise, symmetric_vector_noise,
           pred_lattice, lattice, batch_idx, h0):
    h0_row = h0.astype(jnp.int32)
    idx_rows = batch_idx.astype(jnp.int32)

    cnts = _segscat(idx_rows, jnp.ones((_N,), jnp.float32), 0)
    s = _stage1(predicted_h0_logits.T, h0_row,
                pred_frac_eps_x.T, target_frac_eps_x.T, 0, _N)
    sums = _segscat(idx_rows, s, 0)

    svp = pred_symmetric_vector_noise.T
    svt = symmetric_vector_noise.T
    latp = pred_lattice.reshape(_B, 9).T
    latt = lattice.reshape(_B, 9).T

    out = _combine(sums, cnts, svp, svt, latp, latt)
    return out[0, 0]

# --- scband reference (transcript-rebuilt; emitter-appended) ---
"""Pipeline reference for scband-diffusion-loss-79396765434103 (READ-ONLY COPY).

The authoritative reference and input builder live on the scoring server;
editing this copy changes nothing except your own understanding.
"""

import jax, jax.numpy as jnp
import numpy as np

N = 131072
B = 4096
K = 100

def setup_inputs(seed: int = 0) -> dict:
    key = jax.random.key(seed)
    ks = jax.random.split(key, 9)
    return {
        "pred_frac_eps_x": jax.random.normal(ks[0], (N, 3), dtype=jnp.float32),
        "target_frac_eps_x": jax.random.normal(ks[1], (N, 3), dtype=jnp.float32),
        "predicted_h0_logits": jax.random.normal(ks[2], (N, K), dtype=jnp.float32),
        "pred_symmetric_vector_noise": jax.random.normal(ks[3], (B, 6), dtype=jnp.float32),
        "symmetric_vector_noise": jax.random.normal(ks[4], (B, 6), dtype=jnp.float32),
        "pred_lattice": jax.random.normal(ks[5], (B, 3, 3), dtype=jnp.float32),
        "lattice": jax.random.normal(ks[6], (B, 3, 3), dtype=jnp.float32),
        "batch_idx": jnp.sort(jax.random.randint(ks[7], (N,), 0, B)),
        "h0": jax.random.randint(ks[8], (N,), 0, K),
    }

def reference(pred_frac_eps_x, target_frac_eps_x, predicted_h0_logits,
              pred_symmetric_vector_noise, symmetric_vector_noise,
              pred_lattice, lattice, batch_idx, h0):
    # ---- coordinate error: per-crystal scatter-mean of squared eps error ----
    diff2 = (target_frac_eps_x - pred_frac_eps_x) ** 2  # [N, 3]
    counts = jax.ops.segment_sum(jnp.ones((N,), dtype=jnp.float32), batch_idx, num_segments=B)
    counts = jnp.maximum(counts, 1.0)
    seg_sum = jax.ops.segment_sum(diff2, batch_idx, num_segments=B)  # [B, 3]
    error_x = (seg_sum / counts[:, None]).sum(-1)  # [B]

    # ---- atom-type error: D3PM cross-entropy on predicted x0 logits, per-crystal mean ----
    logZ = jax.scipy.special.logsumexp(predicted_h0_logits, axis=-1)  # [N]
    picked = jnp.take_along_axis(predicted_h0_logits, h0[:, None], axis=1)[:, 0]  # [N]
    ce = logZ - picked  # [N]
    error_h = jax.ops.segment_sum(ce, batch_idx, num_segments=B) / counts  # [B]

    # ---- lattice error: mse on symmetric-vector noise + row-length mse on lattice ----
    err_sv = jnp.mean((pred_symmetric_vector_noise - symmetric_vector_noise) ** 2)
    pred_len = jnp.sqrt(jnp.sum(pred_lattice ** 2, axis=-1) + 1e-12)  # [B, 3]
    true_len = jnp.sqrt(jnp.sum(lattice ** 2, axis=-1) + 1e-12)      # [B, 3]
    err_len = jnp.mean((pred_len - true_len) ** 2)
    error_l = err_sv + err_len  # scalar

    loss = (1.0 * error_x + 1.0 * error_h + 1.0 * error_l).mean()
    return loss

if __name__ == "__main__":
    import jax
    _d = setup_inputs()
    print(jax.jit(kernel)(*tuple(_d.values())))

</pallas_src>

<mosaic_0001>
#map = affine_map<(d0, d1) -> (0)>
#map1 = affine_map<(d0, d1) -> (0, 0)>
module attributes {stable_mosaic.version = 14 : i64} {
  func.func @_sc_body(%arg0: i32, %arg1: i32, %arg2: memref<131072xi32, #tpu.memory_space<hbm>>, %arg3: memref<131072xf32, #tpu.memory_space<hbm>>, %arg4: memref<2x4096xf32, #tpu.memory_space<hbm>>, %arg5: memref<4096xi32, #tpu.memory_space<vmem>>, %arg6: memref<4096xf32, #tpu.memory_space<vmem>>, %arg7: memref<256xf32, #tpu.memory_space<vmem>>, %arg8: memref<4096xf32, #tpu.memory_space<vmem_shared>>, %arg9: memref<!tpu.dma_semaphore, #tpu.memory_space<semaphore_mem>>) attributes {dimension_semantics = [#tpu.dimension_semantics<core_parallel>, #tpu.dimension_semantics<subcore_parallel>], iteration_bounds = array<i64: 2, 16>, scalar_prefetch = 0 : i64, scratch_operands = 5 : i64, tpu.core_type = #tpu.core_type<sc_vector_subcore>, window_params = [{transform_indices = #map}, {transform_indices = #map}, {transform_indices = #map1}]} {
    %mul3A = arith.constant 16 : i32
    %mul3A_0 = arith.muli %arg0, %mul3A : i32
    %add3A = arith.addi %mul3A_0, %arg1 : i32
    %mul3A_1 = arith.constant 4096 : i32
    %mul3A_2 = arith.muli %add3A, %mul3A_1 : i32
    %add3A_3 = arith.constant 0 : i32
    %add3A_4 = arith.addi %add3A_3, %mul3A_2 : i32
    "tpu.region"() ({
      %run_scoped3A = tpu.sem_alloc : memref<!tpu.dma_semaphore, #tpu.memory_space<semaphore_mem>>
      %dma_start3A_110 = tpu.memref_slice %arg2[%add3A_4] : memref<131072xi32, #tpu.memory_space<hbm>> -> memref<4096xi32, #tpu.memory_space<hbm>>
      %dma_start3A_111 = tpu.memref_slice %arg2[%add3A_4] : memref<131072xi32, #tpu.memory_space<hbm>> -> memref<4096xi32, #tpu.memory_space<hbm>>
      tpu.enqueue_dma source(%dma_start3A_111 : memref<4096xi32, #tpu.memory_space<hbm>>) target(%arg5 : memref<4096xi32, #tpu.memory_space<vmem>>) target_semaphore(%run_scoped3A : memref<!tpu.dma_semaphore, #tpu.memory_space<semaphore_mem>>)
      %dma_wait3A_112 = tpu.memref_slice %arg2[%add3A_4] : memref<131072xi32, #tpu.memory_space<hbm>> -> memref<4096xi32, #tpu.memory_space<hbm>>
      %dma_wait3A_113 = tpu.memref_slice %arg2[%add3A_4] : memref<131072xi32, #tpu.memory_space<hbm>> -> memref<4096xi32, #tpu.memory_space<hbm>>
      tpu.wait_dma2 semaphore(%run_scoped3A : memref<!tpu.dma_semaphore, #tpu.memory_space<semaphore_mem>>) src(%dma_wait3A_113 : memref<4096xi32, #tpu.memory_space<hbm>>) dst(%arg5 : memref<4096xi32, #tpu.memory_space<vmem>>)
      tpu.yield
    }) : () -> ()
    %mul3A_5 = arith.constant 4096 : i32
    %mul3A_6 = arith.muli %add3A, %mul3A_5 : i32
    "tpu.region"() ({
      %run_scoped3A = tpu.sem_alloc : memref<!tpu.dma_semaphore, #tpu.memory_space<semaphore_mem>>
      %dma_start3A_110 = tpu.memref_slice %arg3[%mul3A_6] : memref<131072xf32, #tpu.memory_space<hbm>> -> memref<4096xf32, #tpu.memory_space<hbm>>
      %dma_start3A_111 = tpu.memref_slice %arg3[%mul3A_6] : memref<131072xf32, #tpu.memory_space<hbm>> -> memref<4096xf32, #tpu.memory_space<hbm>>
      tpu.enqueue_dma source(%dma_start3A_111 : memref<4096xf32, #tpu.memory_space<hbm>>) target(%arg6 : memref<4096xf32, #tpu.memory_space<vmem>>) target_semaphore(%run_scoped3A : memref<!tpu.dma_semaphore, #tpu.memory_space<semaphore_mem>>)
      %dma_wait3A_112 = tpu.memref_slice %arg3[%mul3A_6] : memref<131072xf32, #tpu.memory_space<hbm>> -> memref<4096xf32, #tpu.memory_space<hbm>>
      %dma_wait3A_113 = tpu.memref_slice %arg3[%mul3A_6] : memref<131072xf32, #tpu.memory_space<hbm>> -> memref<4096xf32, #tpu.memory_space<hbm>>
      tpu.wait_dma2 semaphore(%run_scoped3A : memref<!tpu.dma_semaphore, #tpu.memory_space<semaphore_mem>>) src(%dma_wait3A_113 : memref<4096xf32, #tpu.memory_space<hbm>>) dst(%arg6 : memref<4096xf32, #tpu.memory_space<vmem>>)
      tpu.yield
    }) : () -> ()
    %broadcast_in_dim3A = arith.constant 0.000000e+00 : f32
    %broadcast_in_dim3A_7 = vector.broadcast %broadcast_in_dim3A : f32 to vector<16xf32>
    %swap3A = arith.constant 0 : index
    %swap3A_8 = tpu.vector_load %arg7[%swap3A] {strides = array<i32>} : memref<256xf32, #tpu.memory_space<vmem>>, vector<16xf32>,
    %swap3A_9 = vector.shape_cast %swap3A_8 : vector<16xf32> to vector<16xf32>
    %swap3A_10 = vector.shape_cast %broadcast_in_dim3A_7 : vector<16xf32> to vector<16xf32>
    tpu.vector_store %arg7[%swap3A], %swap3A_10 {strides = array<i32>} : memref<256xf32, #tpu.memory_space<vmem>>, vector<16xf32>,
    %broadcast_in_dim3A_11 = arith.constant 0.000000e+00 : f32
    %broadcast_in_dim3A_12 = vector.broadcast %broadcast_in_dim3A_11 : f32 to vector<16xf32>
    %swap3A_13 = arith.constant 16 : index
    %swap3A_14 = tpu.vector_load %arg7[%swap3A_13] {strides = array<i32>} : memref<256xf32, #tpu.memory_space<vmem>>, vector<16xf32>,
    %swap3A_15 = vector.shape_cast %swap3A_14 : vector<16xf32> to vector<16xf32>
    %swap3A_16 = vector.shape_cast %broadcast_in_dim3A_12 : vector<16xf32> to vector<16xf32>
    tpu.vector_store %arg7[%swap3A_13], %swap3A_16 {strides = array<i32>} : memref<256xf32, #tpu.memory_space<vmem>>, vector<16xf32>,
    %broadcast_in_dim3A_17 = arith.constant 0.000000e+00 : f32
    %broadcast_in_dim3A_18 = vector.broadcast %broadcast_in_dim3A_17 : f32 to vector<16xf32>
    %swap3A_19 = arith.constant 32 : index
    %swap3A_20 = tpu.vector_load %arg7[%swap3A_19] {strides = array<i32>} : memref<256xf32, #tpu.memory_space<vmem>>, vector<16xf32>,
    %swap3A_21 = vector.shape_cast %swap3A_20 : vector<16xf32> to vector<16xf32>
    %swap3A_22 = vector.shape_cast %broadcast_in_dim3A_18 : vector<16xf32> to vector<16xf32>
    tpu.vector_store %arg7[%swap3A_19], %swap3A_22 {strides = array<i32>} : memref<256xf32, #tpu.memory_space<vmem>>, vector<16xf32>,
    %broadcast_in_dim3A_23 = arith.constant 0.000000e+00 : f32
    %broadcast_in_dim3A_24 = vector.broadcast %broadcast_in_dim3A_23 : f32 to vector<16xf32>
    %swap3A_25 = arith.constant 48 : index
    %swap3A_26 = tpu.vector_load %arg7[%swap3A_25] {strides = array<i32>} : memref<256xf32, #tpu.memory_space<vmem>>, vector<16xf32>,
    %swap3A_27 = vector.shape_cast %swap3A_26 : vector<16xf32> to vector<16xf32>
    %swap3A_28 = vector.shape_cast %broadcast_in_dim3A_24 : vector<16xf32> to vector<16xf32>
    tpu.vector_store %arg7[%swap3A_25], %swap3A_28 {strides = array<i32>} : memref<256xf32, #tpu.memory_space<vmem>>, vector<16xf32>,
    %broadcast_in_dim3A_29 = arith.constant 0.000000e+00 : f32
    %broadcast_in_dim3A_30 = vector.broadcast %broadcast_in_dim3A_29 : f32 to vector<16xf32>
    %swap3A_31 = arith.constant 64 : index
    %swap3A_32 = tpu.vector_load %arg7[%swap3A_31] {strides = array<i32>} : memref<256xf32, #tpu.memory_space<vmem>>, vector<16xf32>,
    %swap3A_33 = vector.shape_cast %swap3A_32 : vector<16xf32> to vector<16xf32>
    %swap3A_34 = vector.shape_cast %broadcast_in_dim3A_30 : vector<16xf32> to vector<16xf32>
    tpu.vector_store %arg7[%swap3A_31], %swap3A_34 {strides = array<i32>} : memref<256xf32, #tpu.memory_space<vmem>>, vector<16xf32>,
    %broadcast_in_dim3A_35 = arith.constant 0.000000e+00 : f32
    %broadcast_in_dim3A_36 = vector.broadcast %broadcast_in_dim3A_35 : f32 to vector<16xf32>
    %swap3A_37 = arith.constant 80 : index
    %swap3A_38 = tpu.vector_load %arg7[%swap3A_37] {strides = array<i32>} : memref<256xf32, #tpu.memory_space<vmem>>, vector<16xf32>,
    %swap3A_39 = vector.shape_cast %swap3A_38 : vector<16xf32> to vector<16xf32>
    %swap3A_40 = vector.shape_cast %broadcast_in_dim3A_36 : vector<16xf32> to vector<16xf32>
    tpu.vector_store %arg7[%swap3A_37], %swap3A_40 {strides = array<i32>} : memref<256xf32, #tpu.memory_space<vmem>>, vector<16xf32>,
    %broadcast_in_dim3A_41 = arith.constant 0.000000e+00 : f32
    %broadcast_in_dim3A_42 = vector.broadcast %broadcast_in_dim3A_41 : f32 to vector<16xf32>
    %swap3A_43 = arith.constant 96 : index
    %swap3A_44 = tpu.vector_load %arg7[%swap3A_43] {strides = array<i32>} : memref<256xf32, #tpu.memory_space<vmem>>, vector<16xf32>,
    %swap3A_45 = vector.shape_cast %swap3A_44 : vector<16xf32> to vector<16xf32>
    %swap3A_46 = vector.shape_cast %broadcast_in_dim3A_42 : vector<16xf32> to vector<16xf32>
    tpu.vector_store %arg7[%swap3A_43], %swap3A_46 {strides = array<i32>} : memref<256xf32, #tpu.memory_space<vmem>>, vector<16xf32>,
    %broadcast_in_dim3A_47 = arith.constant 0.000000e+00 : f32
    %broadcast_in_dim3A_48 = vector.broadcast %broadcast_in_dim3A_47 : f32 to vector<16xf32>
    %swap3A_49 = arith.constant 112 : index
    %swap3A_50 = tpu.vector_load %arg7[%swap3A_49] {strides = array<i32>} : memref<256xf32, #tpu.memory_space<vmem>>, vector<16xf32>,
    %swap3A_51 = vector.shape_cast %swap3A_50 : vector<16xf32> to vector<16xf32>
    %swap3A_52 = vector.shape_cast %broadcast_in_dim3A_48 : vector<16xf32> to vector<16xf32>
    tpu.vector_store %arg7[%swap3A_49], %swap3A_52 {strides = array<i32>} : memref<256xf32, #tpu.memory_space<vmem>>, vector<16xf32>,
    %broadcast_in_dim3A_53 = arith.constant 0.000000e+00 : f32
    %broadcast_in_dim3A_54 = vector.broadcast %broadcast_in_dim3A_53 : f32 to vector<16xf32>
    %swap3A_55 = arith.constant 128 : index
    %swap3A_56 = tpu.vector_load %arg7[%swap3A_55] {strides = array<i32>} : memref<256xf32, #tpu.memory_space<vmem>>, vector<16xf32>,
    %swap3A_57 = vector.shape_cast %swap3A_56 : vector<16xf32> to vector<16xf32>
    %swap3A_58 = vector.shape_cast %broadcast_in_dim3A_54 : vector<16xf32> to vector<16xf32>
    tpu.vector_store %arg7[%swap3A_55], %swap3A_58 {strides = array<i32>} : memref<256xf32, #tpu.memory_space<vmem>>, vector<16xf32>,
    %broadcast_in_dim3A_59 = arith.constant 0.000000e+00 : f32
    %broadcast_in_dim3A_60 = vector.broadcast %broadcast_in_dim3A_59 : f32 to vector<16xf32>
    %swap3A_61 = arith.constant 144 : index
    %swap3A_62 = tpu.vector_load %arg7[%swap3A_61] {strides = array<i32>} : memref<256xf32, #tpu.memory_space<vmem>>, vector<16xf32>,
    %swap3A_63 = vector.shape_cast %swap3A_62 : vector<16xf32> to vector<16xf32>
    %swap3A_64 = vector.shape_cast %broadcast_in_dim3A_60 : vector<16xf32> to vector<16xf32>
    tpu.vector_store %arg7[%swap3A_61], %swap3A_64 {strides = array<i32>} : memref<256xf32, #tpu.memory_space<vmem>>, vector<16xf32>,
    %broadcast_in_dim3A_65 = arith.constant 0.000000e+00 : f32
    %broadcast_in_dim3A_66 = vector.broadcast %broadcast_in_dim3A_65 : f32 to vector<16xf32>
    %swap3A_67 = arith.constant 160 : index
    %swap3A_68 = tpu.vector_load %arg7[%swap3A_67] {strides = array<i32>} : memref<256xf32, #tpu.memory_space<vmem>>, vector<16xf32>,
    %swap3A_69 = vector.shape_cast %swap3A_68 : vector<16xf32> to vector<16xf32>
    %swap3A_70 = vector.shape_cast %broadcast_in_dim3A_66 : vector<16xf32> to vector<16xf32>
    tpu.vector_store %arg7[%swap3A_67], %swap3A_70 {strides = array<i32>} : memref<256xf32, #tpu.memory_space<vmem>>, vector<16xf32>,
    %broadcast_in_dim3A_71 = arith.constant 0.000000e+00 : f32
    %broadcast_in_dim3A_72 = vector.broadcast %broadcast_in_dim3A_71 : f32 to vector<16xf32>
    %swap3A_73 = arith.constant 176 : index
    %swap3A_74 = tpu.vector_load %arg7[%swap3A_73] {strides = array<i32>} : memref<256xf32, #tpu.memory_space<vmem>>, vector<16xf32>,
    %swap3A_75 = vector.shape_cast %swap3A_74 : vector<16xf32> to vector<16xf32>
    %swap3A_76 = vector.shape_cast %broadcast_in_dim3A_72 : vector<16xf32> to vector<16xf32>
    tpu.vector_store %arg7[%swap3A_73], %swap3A_76 {strides = array<i32>} : memref<256xf32, #tpu.memory_space<vmem>>, vector<16xf32>,
    %broadcast_in_dim3A_77 = arith.constant 0.000000e+00 : f32
    %broadcast_in_dim3A_78 = vector.broadcast %broadcast_in_dim3A_77 : f32 to vector<16xf32>
    %swap3A_79 = arith.constant 192 : index
    %swap3A_80 = tpu.vector_load %arg7[%swap3A_79] {strides = array<i32>} : memref<256xf32, #tpu.memory_space<vmem>>, vector<16xf32>,
    %swap3A_81 = vector.shape_cast %swap3A_80 : vector<16xf32> to vector<16xf32>
    %swap3A_82 = vector.shape_cast %broadcast_in_dim3A_78 : vector<16xf32> to vector<16xf32>
    tpu.vector_store %arg7[%swap3A_79], %swap3A_82 {strides = array<i32>} : memref<256xf32, #tpu.memory_space<vmem>>, vector<16xf32>,
    %broadcast_in_dim3A_83 = arith.constant 0.000000e+00 : f32
    %broadcast_in_dim3A_84 = vector.broadcast %broadcast_in_dim3A_83 : f32 to vector<16xf32>
    %swap3A_85 = arith.constant 208 : index
    %swap3A_86 = tpu.vector_load %arg7[%swap3A_85] {strides = array<i32>} : memref<256xf32, #tpu.memory_space<vmem>>, vector<16xf32>,
    %swap3A_87 = vector.shape_cast %swap3A_86 : vector<16xf32> to vector<16xf32>
    %swap3A_88 = vector.shape_cast %broadcast_in_dim3A_84 : vector<16xf32> to vector<16xf32>
    tpu.vector_store %arg7[%swap3A_85], %swap3A_88 {strides = array<i32>} : memref<256xf32, #tpu.memory_space<vmem>>, vector<16xf32>,
    %broadcast_in_dim3A_89 = arith.constant 0.000000e+00 : f32
    %broadcast_in_dim3A_90 = vector.broadcast %broadcast_in_dim3A_89 : f32 to vector<16xf32>
    %swap3A_91 = arith.constant 224 : index
    %swap3A_92 = tpu.vector_load %arg7[%swap3A_91] {strides = array<i32>} : memref<256xf32, #tpu.memory_space<vmem>>, vector<16xf32>,
    %swap3A_93 = vector.shape_cast %swap3A_92 : vector<16xf32> to vector<16xf32>
    %swap3A_94 = vector.shape_cast %broadcast_in_dim3A_90 : vector<16xf32> to vector<16xf32>
    tpu.vector_store %arg7[%swap3A_91], %swap3A_94 {strides = array<i32>} : memref<256xf32, #tpu.memory_space<vmem>>, vector<16xf32>,
    %broadcast_in_dim3A_95 = arith.constant 0.000000e+00 : f32
    %broadcast_in_dim3A_96 = vector.broadcast %broadcast_in_dim3A_95 : f32 to vector<16xf32>
    %swap3A_97 = arith.constant 240 : index
    %swap3A_98 = tpu.vector_load %arg7[%swap3A_97] {strides = array<i32>} : memref<256xf32, #tpu.memory_space<vmem>>, vector<16xf32>,
    %swap3A_99 = vector.shape_cast %swap3A_98 : vector<16xf32> to vector<16xf32>
    %swap3A_100 = vector.shape_cast %broadcast_in_dim3A_96 : vector<16xf32> to vector<16xf32>
    tpu.vector_store %arg7[%swap3A_97], %swap3A_100 {strides = array<i32>} : memref<256xf32, #tpu.memory_space<vmem>>, vector<16xf32>,
    %mul3A_101 = arith.constant 256 : i32
    %mul3A_102 = arith.muli %arg1, %mul3A_101 : i32
    "tpu.region"() ({
      %run_scoped3A = tpu.sem_alloc : memref<!tpu.dma_semaphore, #tpu.memory_space<semaphore_mem>>
      %dma_start3A_110 = tpu.memref_slice %arg8[%mul3A_102] : memref<4096xf32, #tpu.memory_space<vmem_shared>> -> memref<256xf32, #tpu.memory_space<vmem_shared>>
      %dma_start3A_111 = tpu.memref_slice %arg8[%mul3A_102] : memref<4096xf32, #tpu.memory_space<vmem_shared>> -> memref<256xf32, #tpu.memory_space<vmem_shared>>
      tpu.enqueue_dma source(%arg7 : memref<256xf32, #tpu.memory_space<vmem>>) target(%dma_start3A_111 : memref<256xf32, #tpu.memory_space<vmem_shared>>) target_semaphore(%run_scoped3A : memref<!tpu.dma_semaphore, #tpu.memory_space<semaphore_mem>>)
      %dma_wait3A_112 = tpu.memref_slice %arg8[%mul3A_102] : memref<4096xf32, #tpu.memory_space<vmem_shared>> -> memref<256xf32, #tpu.memory_space<vmem_shared>>
      %dma_wait3A_113 = tpu.memref_slice %arg8[%mul3A_102] : memref<4096xf32, #tpu.memory_space<vmem_shared>> -> memref<256xf32, #tpu.memory_space<vmem_shared>>
      tpu.wait_dma2 semaphore(%run_scoped3A : memref<!tpu.dma_semaphore, #tpu.memory_space<semaphore_mem>>) src(%arg7 : memref<256xf32, #tpu.memory_space<vmem>>) dst(%dma_wait3A_113 : memref<256xf32, #tpu.memory_space<vmem_shared>>)
      tpu.yield
    }) : () -> ()
    %barrier3A = arith.constant 0 : index
    tpu.barrier barrier_id(%barrier3A)
    %dma_start3A = arith.constant 0 : i32
    %dma_start3A_103 = tpu.memref_slice %arg8[%dma_start3A] : memref<4096xf32, #tpu.memory_space<vmem_shared>> -> memref<4096xf32, #tpu.memory_space<vmem_shared>>
    tpu.enqueue_indirect_dma source(%arg6 : memref<4096xf32, #tpu.memory_space<vmem>>) target(%dma_start3A_103 : memref<4096xf32, #tpu.memory_space<vmem_shared>>) offsets(%arg5 : memref<4096xi32, #tpu.memory_space<vmem>>) semaphore(%arg9 : memref<!tpu.dma_semaphore, #tpu.memory_space<semaphore_mem>>) {add = true}
    %dma_wait3A = arith.constant 0 : i32
    %dma_wait3A_104 = tpu.memref_slice %arg8[%dma_wait3A] : memref<4096xf32, #tpu.memory_space<vmem_shared>> -> memref<4096xf32, #tpu.memory_space<vmem_shared>>
    tpu.wait_indirect_dma semaphore(%arg9 : memref<!tpu.dma_semaphore, #tpu.memory_space<semaphore_mem>>) src(%arg6 : memref<4096xf32, #tpu.memory_space<vmem>>) dst(%dma_wait3A_104 : memref<4096xf32, #tpu.memory_space<vmem_shared>>)
    %barrier3A_105 = arith.constant 0 : index
    tpu.barrier barrier_id(%barrier3A_105)
    %mul3A_106 = arith.constant 256 : i32
    %mul3A_107 = arith.muli %arg1, %mul3A_106 : i32
    %mul3A_108 = arith.constant 256 : i32
    %mul3A_109 = arith.muli %arg1, %mul3A_108 : i32
    "tpu.region"() ({
      %run_scoped3A = tpu.sem_alloc : memref<!tpu.dma_semaphore, #tpu.memory_space<semaphore_mem>>
      %dma_start3A_110 = tpu.memref_slice %arg4[%arg0, %mul3A_109] : memref<2x4096xf32, #tpu.memory_space<hbm>> -> memref<1x256xf32, #tpu.memory_space<hbm>>
      %dma_start3A_111 = tpu.memref_squeeze %dma_start3A_110 : memref<1x256xf32, #tpu.memory_space<hbm>> -> memref<256xf32, #tpu.memory_space<hbm>>
      %dma_start3A_112 = tpu.memref_slice %arg8[%mul3A_107] : memref<4096xf32, #tpu.memory_space<vmem_shared>> -> memref<256xf32, #tpu.memory_space<vmem_shared>>
      tpu.enqueue_dma source(%dma_start3A_112 : memref<256xf32, #tpu.memory_space<vmem_shared>>) target(%dma_start3A_111 : memref<256xf32, #tpu.memory_space<hbm>>) target_semaphore(%run_scoped3A : memref<!tpu.dma_semaphore, #tpu.memory_space<semaphore_mem>>)
      %dma_wait3A_113 = tpu.memref_slice %arg4[%arg0, %mul3A_109] : memref<2x4096xf32, #tpu.memory_space<hbm>> -> memref<1x256xf32, #tpu.memory_space<hbm>>
      %dma_wait3A_114 = tpu.memref_squeeze %dma_wait3A_113 : memref<1x256xf32, #tpu.memory_space<hbm>> -> memref<256xf32, #tpu.memory_space<hbm>>
      %dma_wait3A_115 = tpu.memref_slice %arg8[%mul3A_107] : memref<4096xf32, #tpu.memory_space<vmem_shared>> -> memref<256xf32, #tpu.memory_space<vmem_shared>>
      tpu.wait_dma2 semaphore(%run_scoped3A : memref<!tpu.dma_semaphore, #tpu.memory_space<semaphore_mem>>) src(%dma_wait3A_115 : memref<256xf32, #tpu.memory_space<vmem_shared>>) dst(%dma_wait3A_114 : memref<256xf32, #tpu.memory_space<hbm>>)
      tpu.yield
    }) : () -> ()
    return
  }
}

#map = affine_map<(d0, d1) -> (0)>
#map1 = affine_map<(d0, d1) -> (0, 0)>
module attributes {stable_mosaic.version = 14 : i64} {
  func.func @_sc_body(%arg0: i32, %arg1: i32, %arg2: memref<131072xi32, #tpu.memory_space<hbm>>, %arg3: memref<131072xf32, #tpu.memory_space<hbm>>, %arg4: memref<2x4096xf32, #tpu.memory_space<hbm>>, %arg5: memref<4096xi32, #tpu.memory_space<vmem>>, %arg6: memref<4096xf32, #tpu.memory_space<vmem>>, %arg7: memref<256xf32, #tpu.memory_space<vmem>>, %arg8: memref<4096xf32, #tpu.memory_space<vmem_shared>>, %arg9: memref<!tpu.dma_semaphore, #tpu.memory_space<semaphore_mem>>) attributes {dimension_semantics = [#tpu.dimension_semantics<core_parallel>, #tpu.dimension_semantics<subcore_parallel>], iteration_bounds = array<i64: 2, 16>, scalar_prefetch = 0 : i64, scratch_operands = 5 : i64, tpu.core_type = #tpu.core_type<sc_vector_subcore>, window_params = [{transform_indices = #map}, {transform_indices = #map}, {transform_indices = #map1}]} {
    %mul3A = arith.constant 16 : i32
    %mul3A_0 = arith.muli %arg0, %mul3A : i32
    %add3A = arith.addi %mul3A_0, %arg1 : i32
    %mul3A_1 = arith.constant 4096 : i32
    %mul3A_2 = arith.muli %add3A, %mul3A_1 : i32
    %add3A_3 = arith.constant 0 : i32
    %add3A_4 = arith.addi %add3A_3, %mul3A_2 : i32
    "tpu.region"() ({
      %run_scoped3A = tpu.sem_alloc : memref<!tpu.dma_semaphore, #tpu.memory_space<semaphore_mem>>
      %dma_start3A_110 = tpu.memref_slice %arg2[%add3A_4] : memref<131072xi32, #tpu.memory_space<hbm>> -> memref<4096xi32, #tpu.memory_space<hbm>>
      %dma_start3A_111 = tpu.memref_slice %arg2[%add3A_4] : memref<131072xi32, #tpu.memory_space<hbm>> -> memref<4096xi32, #tpu.memory_space<hbm>>
      tpu.enqueue_dma source(%dma_start3A_111 : memref<4096xi32, #tpu.memory_space<hbm>>) target(%arg5 : memref<4096xi32, #tpu.memory_space<vmem>>) target_semaphore(%run_scoped3A : memref<!tpu.dma_semaphore, #tpu.memory_space<semaphore_mem>>)
      %dma_wait3A_112 = tpu.memref_slice %arg2[%add3A_4] : memref<131072xi32, #tpu.memory_space<hbm>> -> memref<4096xi32, #tpu.memory_space<hbm>>
      %dma_wait3A_113 = tpu.memref_slice %arg2[%add3A_4] : memref<131072xi32, #tpu.memory_space<hbm>> -> memref<4096xi32, #tpu.memory_space<hbm>>
      tpu.wait_dma2 semaphore(%run_scoped3A : memref<!tpu.dma_semaphore, #tpu.memory_space<semaphore_mem>>) src(%dma_wait3A_113 : memref<4096xi32, #tpu.memory_space<hbm>>) dst(%arg5 : memref<4096xi32, #tpu.memory_space<vmem>>)
      tpu.yield
    }) : () -> ()
    %mul3A_5 = arith.constant 4096 : i32
    %mul3A_6 = arith.muli %add3A, %mul3A_5 : i32
    "tpu.region"() ({
      %run_scoped3A = tpu.sem_alloc : memref<!tpu.dma_semaphore, #tpu.memory_space<semaphore_mem>>
      %dma_start3A_110 = tpu.memref_slice %arg3[%mul3A_6] : memref<131072xf32, #tpu.memory_space<hbm>> -> memref<4096xf32, #tpu.memory_space<hbm>>
      %dma_start3A_111 = tpu.memref_slice %arg3[%mul3A_6] : memref<131072xf32, #tpu.memory_space<hbm>> -> memref<4096xf32, #tpu.memory_space<hbm>>
      tpu.enqueue_dma source(%dma_start3A_111 : memref<4096xf32, #tpu.memory_space<hbm>>) target(%arg6 : memref<4096xf32, #tpu.memory_space<vmem>>) target_semaphore(%run_scoped3A : memref<!tpu.dma_semaphore, #tpu.memory_space<semaphore_mem>>)
      %dma_wait3A_112 = tpu.memref_slice %arg3[%mul3A_6] : memref<131072xf32, #tpu.memory_space<hbm>> -> memref<4096xf32, #tpu.memory_space<hbm>>
      %dma_wait3A_113 = tpu.memref_slice %arg3[%mul3A_6] : memref<131072xf32, #tpu.memory_space<hbm>> -> memref<4096xf32, #tpu.memory_space<hbm>>
      tpu.wait_dma2 semaphore(%run_scoped3A : memref<!tpu.dma_semaphore, #tpu.memory_space<semaphore_mem>>) src(%dma_wait3A_113 : memref<4096xf32, #tpu.memory_space<hbm>>) dst(%arg6 : memref<4096xf32, #tpu.memory_space<vmem>>)
      tpu.yield
    }) : () -> ()
    %broadcast_in_dim3A = arith.constant 0.000000e+00 : f32
    %broadcast_in_dim3A_7 = vector.broadcast %broadcast_in_dim3A : f32 to vector<16xf32>
    %swap3A = arith.constant 0 : index
    %swap3A_8 = tpu.vector_load %arg7[%swap3A] {strides = array<i32>} : memref<256xf32, #tpu.memory_space<vmem>>, vector<16xf32>,
    %swap3A_9 = vector.shape_cast %swap3A_8 : vector<16xf32> to vector<16xf32>
    %swap3A_10 = vector.shape_cast %broadcast_in_dim3A_7 : vector<16xf32> to vector<16xf32>
    tpu.vector_store %arg7[%swap3A], %swap3A_10 {strides = array<i32>} : memref<256xf32, #tpu.memory_space<vmem>>, vector<16xf32>,
    %broadcast_in_dim3A_11 = arith.constant 0.000000e+00 : f32
    %broadcast_in_dim3A_12 = vector.broadcast %broadcast_in_dim3A_11 : f32 to vector<16xf32>
    %swap3A_13 = arith.constant 16 : index
    %swap3A_14 = tpu.vector_load %arg7[%swap3A_13] {strides = array<i32>} : memref<256xf32, #tpu.memory_space<vmem>>, vector<16xf32>,
    %swap3A_15 = vector.shape_cast %swap3A_14 : vector<16xf32> to vector<16xf32>
    %swap3A_16 = vector.shape_cast %broadcast_in_dim3A_12 : vector<16xf32> to vector<16xf32>
    tpu.vector_store %arg7[%swap3A_13], %swap3A_16 {strides = array<i32>} : memref<256xf32, #tpu.memory_space<vmem>>, vector<16xf32>,
    %broadcast_in_dim3A_17 = arith.constant 0.000000e+00 : f32
    %broadcast_in_dim3A_18 = vector.broadcast %broadcast_in_dim3A_17 : f32 to vector<16xf32>
    %swap3A_19 = arith.constant 32 : index
    %swap3A_20 = tpu.vector_load %arg7[%swap3A_19] {strides = array<i32>} : memref<256xf32, #tpu.memory_space<vmem>>, vector<16xf32>,
    %swap3A_21 = vector.shape_cast %swap3A_20 : vector<16xf32> to vector<16xf32>
    %swap3A_22 = vector.shape_cast %broadcast_in_dim3A_18 : vector<16xf32> to vector<16xf32>
    tpu.vector_store %arg7[%swap3A_19], %swap3A_22 {strides = array<i32>} : memref<256xf32, #tpu.memory_space<vmem>>, vector<16xf32>,
    %broadcast_in_dim3A_23 = arith.constant 0.000000e+00 : f32
    %broadcast_in_dim3A_24 = vector.broadcast %broadcast_in_dim3A_23 : f32 to vector<16xf32>
    %swap3A_25 = arith.constant 48 : index
    %swap3A_26 = tpu.vector_load %arg7[%swap3A_25] {strides = array<i32>} : memref<256xf32, #tpu.memory_space<vmem>>, vector<16xf32>,
    %swap3A_27 = vector.shape_cast %swap3A_26 : vector<16xf32> to vector<16xf32>
    %swap3A_28 = vector.shape_cast %broadcast_in_dim3A_24 : vector<16xf32> to vector<16xf32>
    tpu.vector_store %arg7[%swap3A_25], %swap3A_28 {strides = array<i32>} : memref<256xf32, #tpu.memory_space<vmem>>, vector<16xf32>,
    %broadcast_in_dim3A_29 = arith.constant 0.000000e+00 : f32
    %broadcast_in_dim3A_30 = vector.broadcast %broadcast_in_dim3A_29 : f32 to vector<16xf32>
    %swap3A_31 = arith.constant 64 : index
    %swap3A_32 = tpu.vector_load %arg7[%swap3A_31] {strides = array<i32>} : memref<256xf32, #tpu.memory_space<vmem>>, vector<16xf32>,
    %swap3A_33 = vector.shape_cast %swap3A_32 : vector<16xf32> to vector<16xf32>
    %swap3A_34 = vector.shape_cast %broadcast_in_dim3A_30 : vector<16xf32> to vector<16xf32>
    tpu.vector_store %arg7[%swap3A_31], %swap3A_34 {strides = array<i32>} : memref<256xf32, #tpu.memory_space<vmem>>, vector<16xf32>,
    %broadcast_in_dim3A_35 = arith.constant 0.000000e+00 : f32
    %broadcast_in_dim3A_36 = vector.broadcast %broadcast_in_dim3A_35 : f32 to vector<16xf32>
    %swap3A_37 = arith.constant 80 : index
    %swap3A_38 = tpu.vector_load %arg7[%swap3A_37] {strides = array<i32>} : memref<256xf32, #tpu.memory_space<vmem>>, vector<16xf32>,
    %swap3A_39 = vector.shape_cast %swap3A_38 : vector<16xf32> to vector<16xf32>
    %swap3A_40 = vector.shape_cast %broadcast_in_dim3A_36 : vector<16xf32> to vector<16xf32>
    tpu.vector_store %arg7[%swap3A_37], %swap3A_40 {strides = array<i32>} : memref<256xf32, #tpu.memory_space<vmem>>, vector<16xf32>,
    %broadcast_in_dim3A_41 = arith.constant 0.000000e+00 : f32
    %broadcast_in_dim3A_42 = vector.broadcast %broadcast_in_dim3A_41 : f32 to vector<16xf32>
    %swap3A_43 = arith.constant 96 : index
    %swap3A_44 = tpu.vector_load %arg7[%swap3A_43] {strides = array<i32>} : memref<256xf32, #tpu.memory_space<vmem>>, vector<16xf32>,
    %swap3A_45 = vector.shape_cast %swap3A_44 : vector<16xf32> to vector<16xf32>
    %swap3A_46 = vector.shape_cast %broadcast_in_dim3A_42 : vector<16xf32> to vector<16xf32>
    tpu.vector_store %arg7[%swap3A_43], %swap3A_46 {strides = array<i32>} : memref<256xf32, #tpu.memory_space<vmem>>, vector<16xf32>,
    %broadcast_in_dim3A_47 = arith.constant 0.000000e+00 : f32
    %broadcast_in_dim3A_48 = vector.broadcast %broadcast_in_dim3A_47 : f32 to vector<16xf32>
    %swap3A_49 = arith.constant 112 : index
    %swap3A_50 = tpu.vector_load %arg7[%swap3A_49] {strides = array<i32>} : memref<256xf32, #tpu.memory_space<vmem>>, vector<16xf32>,
    %swap3A_51 = vector.shape_cast %swap3A_50 : vector<16xf32> to vector<16xf32>
    %swap3A_52 = vector.shape_cast %broadcast_in_dim3A_48 : vector<16xf32> to vector<16xf32>
    tpu.vector_store %arg7[%swap3A_49], %swap3A_52 {strides = array<i32>} : memref<256xf32, #tpu.memory_space<vmem>>, vector<16xf32>,
    %broadcast_in_dim3A_53 = arith.constant 0.000000e+00 : f32
    %broadcast_in_dim3A_54 = vector.broadcast %broadcast_in_dim3A_53 : f32 to vector<16xf32>
    %swap3A_55 = arith.constant 128 : index
    %swap3A_56 = tpu.vector_load %arg7[%swap3A_55] {strides = array<i32>} : memref<256xf32, #tpu.memory_space<vmem>>, vector<16xf32>,
    %swap3A_57 = vector.shape_cast %swap3A_56 : vector<16xf32> to vector<16xf32>
    %swap3A_58 = vector.shape_cast %broadcast_in_dim3A_54 : vector<16xf32> to vector<16xf32>
    tpu.vector_store %arg7[%swap3A_55], %swap3A_58 {strides = array<i32>} : memref<256xf32, #tpu.memory_space<vmem>>, vector<16xf32>,
    %broadcast_in_dim3A_59 = arith.constant 0.000000e+00 : f32
    %broadcast_in_dim3A_60 = vector.broadcast %broadcast_in_dim3A_59 : f32 to vector<16xf32>
    %swap3A_61 = arith.constant 144 : index
    %swap3A_62 = tpu.vector_load %arg7[%swap3A_61] {strides = array<i32>} : memref<256xf32, #tpu.memory_space<vmem>>, vector<16xf32>,
    %swap3A_63 = vector.shape_cast %swap3A_62 : vector<16xf32> to vector<16xf32>
    %swap3A_64 = vector.shape_cast %broadcast_in_dim3A_60 : vector<16xf32> to vector<16xf32>
    tpu.vector_store %arg7[%swap3A_61], %swap3A_64 {strides = array<i32>} : memref<256xf32, #tpu.memory_space<vmem>>, vector<16xf32>,
    %broadcast_in_dim3A_65 = arith.constant 0.000000e+00 : f32
    %broadcast_in_dim3A_66 = vector.broadcast %broadcast_in_dim3A_65 : f32 to vector<16xf32>
    %swap3A_67 = arith.constant 160 : index
    %swap3A_68 = tpu.vector_load %arg7[%swap3A_67] {strides = array<i32>} : memref<256xf32, #tpu.memory_space<vmem>>, vector<16xf32>,
    %swap3A_69 = vector.shape_cast %swap3A_68 : vector<16xf32> to vector<16xf32>
    %swap3A_70 = vector.shape_cast %broadcast_in_dim3A_66 : vector<16xf32> to vector<16xf32>
    tpu.vector_store %arg7[%swap3A_67], %swap3A_70 {strides = array<i32>} : memref<256xf32, #tpu.memory_space<vmem>>, vector<16xf32>,
    %broadcast_in_dim3A_71 = arith.constant 0.000000e+00 : f32
    %broadcast_in_dim3A_72 = vector.broadcast %broadcast_in_dim3A_71 : f32 to vector<16xf32>
    %swap3A_73 = arith.constant 176 : index
    %swap3A_74 = tpu.vector_load %arg7[%swap3A_73] {strides = array<i32>} : memref<256xf32, #tpu.memory_space<vmem>>, vector<16xf32>,
    %swap3A_75 = vector.shape_cast %swap3A_74 : vector<16xf32> to vector<16xf32>
    %swap3A_76 = vector.shape_cast %broadcast_in_dim3A_72 : vector<16xf32> to vector<16xf32>
    tpu.vector_store %arg7[%swap3A_73], %swap3A_76 {strides = array<i32>} : memref<256xf32, #tpu.memory_space<vmem>>, vector<16xf32>,
    %broadcast_in_dim3A_77 = arith.constant 0.000000e+00 : f32
    %broadcast_in_dim3A_78 = vector.broadcast %broadcast_in_dim3A_77 : f32 to vector<16xf32>
    %swap3A_79 = arith.constant 192 : index
    %swap3A_80 = tpu.vector_load %arg7[%swap3A_79] {strides = array<i32>} : memref<256xf32, #tpu.memory_space<vmem>>, vector<16xf32>,
    %swap3A_81 = vector.shape_cast %swap3A_80 : vector<16xf32> to vector<16xf32>
    %swap3A_82 = vector.shape_cast %broadcast_in_dim3A_78 : vector<16xf32> to vector<16xf32>
    tpu.vector_store %arg7[%swap3A_79], %swap3A_82 {strides = array<i32>} : memref<256xf32, #tpu.memory_space<vmem>>, vector<16xf32>,
    %broadcast_in_dim3A_83 = arith.constant 0.000000e+00 : f32
    %broadcast_in_dim3A_84 = vector.broadcast %broadcast_in_dim3A_83 : f32 to vector<16xf32>
    %swap3A_85 = arith.constant 208 : index
    %swap3A_86 = tpu.vector_load %arg7[%swap3A_85] {strides = array<i32>} : memref<256xf32, #tpu.memory_space<vmem>>, vector<16xf32>,
    %swap3A_87 = vector.shape_cast %swap3A_86 : vector<16xf32> to vector<16xf32>
    %swap3A_88 = vector.shape_cast %broadcast_in_dim3A_84 : vector<16xf32> to vector<16xf32>
    tpu.vector_store %arg7[%swap3A_85], %swap3A_88 {strides = array<i32>} : memref<256xf32, #tpu.memory_space<vmem>>, vector<16xf32>,
    %broadcast_in_dim3A_89 = arith.constant 0.000000e+00 : f32
    %broadcast_in_dim3A_90 = vector.broadcast %broadcast_in_dim3A_89 : f32 to vector<16xf32>
    %swap3A_91 = arith.constant 224 : index
    %swap3A_92 = tpu.vector_load %arg7[%swap3A_91] {strides = array<i32>} : memref<256xf32, #tpu.memory_space<vmem>>, vector<16xf32>,
    %swap3A_93 = vector.shape_cast %swap3A_92 : vector<16xf32> to vector<16xf32>
    %swap3A_94 = vector.shape_cast %broadcast_in_dim3A_90 : vector<16xf32> to vector<16xf32>
    tpu.vector_store %arg7[%swap3A_91], %swap3A_94 {strides = array<i32>} : memref<256xf32, #tpu.memory_space<vmem>>, vector<16xf32>,
    %broadcast_in_dim3A_95 = arith.constant 0.000000e+00 : f32
    %broadcast_in_dim3A_96 = vector.broadcast %broadcast_in_dim3A_95 : f32 to vector<16xf32>
    %swap3A_97 = arith.constant 240 : index
    %swap3A_98 = tpu.vector_load %arg7[%swap3A_97] {strides = array<i32>} : memref<256xf32, #tpu.memory_space<vmem>>, vector<16xf32>,
    %swap3A_99 = vector.shape_cast %swap3A_98 : vector<16xf32> to vector<16xf32>
    %swap3A_100 = vector.shape_cast %broadcast_in_dim3A_96 : vector<16xf32> to vector<16xf32>
    tpu.vector_store %arg7[%swap3A_97], %swap3A_100 {strides = array<i32>} : memref<256xf32, #tpu.memory_space<vmem>>, vector<16xf32>,
    %mul3A_101 = arith.constant 256 : i32
    %mul3A_102 = arith.muli %arg1, %mul3A_101 : i32
    "tpu.region"() ({
      %run_scoped3A = tpu.sem_alloc : memref<!tpu.dma_semaphore, #tpu.memory_space<semaphore_mem>>
      %dma_start3A_110 = tpu.memref_slice %arg8[%mul3A_102] : memref<4096xf32, #tpu.memory_space<vmem_shared>> -> memref<256xf32, #tpu.memory_space<vmem_shared>>
      %dma_start3A_111 = tpu.memref_slice %arg8[%mul3A_102] : memref<4096xf32, #tpu.memory_space<vmem_shared>> -> memref<256xf32, #tpu.memory_space<vmem_shared>>
      tpu.enqueue_dma source(%arg7 : memref<256xf32, #tpu.memory_space<vmem>>) target(%dma_start3A_111 : memref<256xf32, #tpu.memory_space<vmem_shared>>) target_semaphore(%run_scoped3A : memref<!tpu.dma_semaphore, #tpu.memory_space<semaphore_mem>>)
      %dma_wait3A_112 = tpu.memref_slice %arg8[%mul3A_102] : memref<4096xf32, #tpu.memory_space<vmem_shared>> -> memref<256xf32, #tpu.memory_space<vmem_shared>>
      %dma_wait3A_113 = tpu.memref_slice %arg8[%mul3A_102] : memref<4096xf32, #tpu.memory_space<vmem_shared>> -> memref<256xf32, #tpu.memory_space<vmem_shared>>
      tpu.wait_dma2 semaphore(%run_scoped3A : memref<!tpu.dma_semaphore, #tpu.memory_space<semaphore_mem>>) src(%arg7 : memref<256xf32, #tpu.memory_space<vmem>>) dst(%dma_wait3A_113 : memref<256xf32, #tpu.memory_space<vmem_shared>>)
      tpu.yield
    }) : () -> ()
    %barrier3A = arith.constant 0 : index
    tpu.barrier barrier_id(%barrier3A)
    %dma_start3A = arith.constant 0 : i32
    %dma_start3A_103 = tpu.memref_slice %arg8[%dma_start3A] : memref<4096xf32, #tpu.memory_space<vmem_shared>> -> memref<4096xf32, #tpu.memory_space<vmem_shared>>
    tpu.enqueue_indirect_dma source(%arg6 : memref<4096xf32, #tpu.memory_space<vmem>>) target(%dma_start3A_103 : memref<4096xf32, #tpu.memory_space<vmem_shared>>) offsets(%arg5 : memref<4096xi32, #tpu.memory_space<vmem>>) semaphore(%arg9 : memref<!tpu.dma_semaphore, #tpu.memory_space<semaphore_mem>>) {add = true}
    %dma_wait3A = arith.constant 0 : i32
    %dma_wait3A_104 = tpu.memref_slice %arg8[%dma_wait3A] : memref<4096xf32, #tpu.memory_space<vmem_shared>> -> memref<4096xf32, #tpu.memory_space<vmem_shared>>
    tpu.wait_indirect_dma semaphore(%arg9 : memref<!tpu.dma_semaphore, #tpu.memory_space<semaphore_mem>>) src(%arg6 : memref<4096xf32, #tpu.memory_space<vmem>>) dst(%dma_wait3A_104 : memref<4096xf32, #tpu.memory_space<vmem_shared>>)
    %barrier3A_105 = arith.constant 0 : index
    tpu.barrier barrier_id(%barrier3A_105)
    %mul3A_106 = arith.constant 256 : i32
    %mul3A_107 = arith.muli %arg1, %mul3A_106 : i32
    %mul3A_108 = arith.constant 256 : i32
    %mul3A_109 = arith.muli %arg1, %mul3A_108 : i32
    "tpu.region"() ({
      %run_scoped3A = tpu.sem_alloc : memref<!tpu.dma_semaphore, #tpu.memory_space<semaphore_mem>>
      %dma_start3A_110 = tpu.memref_slice %arg4[%arg0, %mul3A_109] : memref<2x4096xf32, #tpu.memory_space<hbm>> -> memref<1x256xf32, #tpu.memory_space<hbm>>
      %dma_start3A_111 = tpu.memref_squeeze %dma_start3A_110 : memref<1x256xf32, #tpu.memory_space<hbm>> -> memref<256xf32, #tpu.memory_space<hbm>>
      %dma_start3A_112 = tpu.memref_slice %arg8[%mul3A_107] : memref<4096xf32, #tpu.memory_space<vmem_shared>> -> memref<256xf32, #tpu.memory_space<vmem_shared>>
      tpu.enqueue_dma source(%dma_start3A_112 : memref<256xf32, #tpu.memory_space<vmem_shared>>) target(%dma_start3A_111 : memref<256xf32, #tpu.memory_space<hbm>>) target_semaphore(%run_scoped3A : memref<!tpu.dma_semaphore, #tpu.memory_space<semaphore_mem>>)
      %dma_wait3A_113 = tpu.memref_slice %arg4[%arg0, %mul3A_109] : memref<2x4096xf32, #tpu.memory_space<hbm>> -> memref<1x256xf32, #tpu.memory_space<hbm>>
      %dma_wait3A_114 = tpu.memref_squeeze %dma_wait3A_113 : memref<1x256xf32, #tpu.memory_space<hbm>> -> memref<256xf32, #tpu.memory_space<hbm>>
      %dma_wait3A_115 = tpu.memref_slice %arg8[%mul3A_107] : memref<4096xf32, #tpu.memory_space<vmem_shared>> -> memref<256xf32, #tpu.memory_space<vmem_shared>>
      tpu.wait_dma2 semaphore(%run_scoped3A : memref<!tpu.dma_semaphore, #tpu.memory_space<semaphore_mem>>) src(%dma_wait3A_115 : memref<256xf32, #tpu.memory_space<vmem_shared>>) dst(%dma_wait3A_114 : memref<256xf32, #tpu.memory_space<hbm>>)
      tpu.yield
    }) : () -> ()
    return
  }
}

module attributes {stable_mosaic.version = 14 : i64} {
  func.func @_peratom_body(%arg0: i32, %arg1: memref<100x16384xf32, #tpu.memory_space<vmem>>, %arg2: memref<16384xi32, #tpu.memory_space<vmem>>, %arg3: memref<3x16384xf32, #tpu.memory_space<vmem>>, %arg4: memref<3x16384xf32, #tpu.memory_space<vmem>>, %arg5: memref<16384xf32, #tpu.memory_space<vmem>>) attributes {dimension_semantics = [#tpu.dimension_semantics<arbitrary>], iteration_bounds = array<i64: 8>, scalar_prefetch = 0 : i64, scratch_operands = 0 : i64, tpu.core_type = #tpu.core_type<tc>, window_params = [{transform_indices = @transform_0, window_bounds = array<i64: 100, 16384>}, {transform_indices = @transform_1, window_bounds = array<i64: 16384>}, {transform_indices = @transform_2, window_bounds = array<i64: 3, 16384>}, {transform_indices = @transform_3, window_bounds = array<i64: 3, 16384>}, {transform_indices = @transform_4, window_bounds = array<i64: 16384>}]} {
    %get3A = arith.constant 0 : index
    %get3A_0 = arith.constant 0 : index
    %get3A_1 = vector.load %arg1[%get3A, %get3A_0] : memref<100x16384xf32, #tpu.memory_space<vmem>>, vector<100x16384xf32>
    %reduce_max3A = arith.constant dense<0xFF800000> : vector<16384xf32>
    %reduce_max3A_2 = vector.multi_reduction <maximumf>, %get3A_1, %reduce_max3A [0] : vector<100x16384xf32> to vector<16384xf32>
    %broadcast_in_dim3A = vector.shape_cast %reduce_max3A_2 : vector<16384xf32> to vector<1x16384xf32>
    %sub3A = vector.broadcast %broadcast_in_dim3A : vector<1x16384xf32> to vector<100x16384xf32>
    %sub3A_3 = arith.subf %get3A_1, %sub3A : vector<100x16384xf32>
    %exp3A = math.exp %sub3A_3 : vector<100x16384xf32>
    %reduce_sum3A = arith.constant dense<0.000000e+00> : vector<16384xf32>
    %reduce_sum3A_4 = vector.multi_reduction <add>, %exp3A, %reduce_sum3A [0] : vector<100x16384xf32> to vector<16384xf32>
    %broadcast_in_dim3A_5 = vector.shape_cast %reduce_sum3A_4 : vector<16384xf32> to vector<1x16384xf32>
    %log3A = math.log %broadcast_in_dim3A_5 : vector<1x16384xf32>
    %add3A = arith.addf %log3A, %broadcast_in_dim3A : vector<1x16384xf32>
    %iota3A = tpu.iota {dimensions = array<i32: 0>} : vector<100x16384xi32>
    %get3A_6 = arith.constant 0 : index
    %get3A_7 = vector.load %arg2[%get3A_6] : memref<16384xi32, #tpu.memory_space<vmem>>, vector<16384xi32>
    %broadcast_in_dim3A_8 = vector.shape_cast %get3A_7 : vector<16384xi32> to vector<1x16384xi32>
    %eq3A = vector.broadcast %broadcast_in_dim3A_8 : vector<1x16384xi32> to vector<100x16384xi32>
    %eq3A_9 = arith.cmpi eq, %iota3A, %eq3A : vector<100x16384xi32>
    %jit3A = arith.constant 0.000000e+00 : f32
    %broadcast_in_dim3A_10 = vector.broadcast %jit3A : f32 to vector<100x16384xf32>
    %select_n3A = arith.select %eq3A_9, %get3A_1, %broadcast_in_dim3A_10 : vector<100x16384xi1>, vector<100x16384xf32>
    %reduce_sum3A_11 = arith.constant dense<0.000000e+00> : vector<16384xf32>
    %reduce_sum3A_12 = vector.multi_reduction <add>, %select_n3A, %reduce_sum3A_11 [0] : vector<100x16384xf32> to vector<16384xf32>
    %broadcast_in_dim3A_13 = vector.shape_cast %reduce_sum3A_12 : vector<16384xf32> to vector<1x16384xf32>
    %get3A_14 = arith.constant 0 : index
    %get3A_15 = arith.constant 0 : index
    %get3A_16 = vector.load %arg4[%get3A_14, %get3A_15] : memref<3x16384xf32, #tpu.memory_space<vmem>>, vector<3x16384xf32>
    %get3A_17 = arith.constant 0 : index
    %get3A_18 = arith.constant 0 : index
    %get3A_19 = vector.load %arg3[%get3A_17, %get3A_18] : memref<3x16384xf32, #tpu.memory_space<vmem>>, vector<3x16384xf32>
    %sub3A_20 = arith.subf %get3A_16, %get3A_19 : vector<3x16384xf32>
    %mul3A = arith.mulf %sub3A_20, %sub3A_20 : vector<3x16384xf32>
    %reduce_sum3A_21 = arith.constant dense<0.000000e+00> : vector<16384xf32>
    %reduce_sum3A_22 = vector.multi_reduction <add>, %mul3A, %reduce_sum3A_21 [0] : vector<3x16384xf32> to vector<16384xf32>
    %broadcast_in_dim3A_23 = vector.shape_cast %reduce_sum3A_22 : vector<16384xf32> to vector<1x16384xf32>
    %sub3A_24 = arith.subf %add3A, %broadcast_in_dim3A_13 : vector<1x16384xf32>
    %add3A_25 = arith.addf %sub3A_24, %broadcast_in_dim3A_23 : vector<1x16384xf32>
    %squeeze3A = vector.shape_cast %add3A_25 : vector<1x16384xf32> to vector<16384xf32>
    %swap3A = arith.constant 0 : index
    %swap3A_26 = vector.load %arg5[%swap3A] : memref<16384xf32, #tpu.memory_space<vmem>>, vector<16384xf32>
    tpu.vector_store %arg5[%swap3A], %squeeze3A {strides = array<i32>} : memref<16384xf32, #tpu.memory_space<vmem>>, vector<16384xf32>,
    return
  }
  func.func @transform_0(%arg0: i32) -> (i32, i32) {
    %add3A = arith.constant 0 : i32
    %add3A_0 = arith.addi %arg0, %add3A : i32
    %c0_i32 = arith.constant 0 : i32
    %c0_i32_1 = arith.constant 0 : i32
    return %c0_i32, %add3A_0 : i32, i32
  }
  func.func @transform_1(%arg0: i32) -> i32 {
    %add3A = arith.constant 0 : i32
    %add3A_0 = arith.addi %arg0, %add3A : i32
    %c0_i32 = arith.constant 0 : i32
    return %add3A_0 : i32
  }
  func.func @transform_2(%arg0: i32) -> (i32, i32) {
    %add3A = arith.constant 0 : i32
    %add3A_0 = arith.addi %arg0, %add3A : i32
    %c0_i32 = arith.constant 0 : i32
    %c0_i32_1 = arith.constant 0 : i32
    return %c0_i32, %add3A_0 : i32, i32
  }
  func.func @transform_3(%arg0: i32) -> (i32, i32) {
    %add3A = arith.constant 0 : i32
    %add3A_0 = arith.addi %arg0, %add3A : i32
    %c0_i32 = arith.constant 0 : i32
    %c0_i32_1 = arith.constant 0 : i32
    return %c0_i32, %add3A_0 : i32, i32
  }
  func.func @transform_4(%arg0: i32) -> i32 {
    %c0_i32 = arith.constant 0 : i32
    return %arg0 : i32
  }
}

module attributes {stable_mosaic.version = 14 : i64} {
  func.func @_combine_body(%arg0: memref<2x4096xf32, #tpu.memory_space<vmem>>, %arg1: memref<2x4096xf32, #tpu.memory_space<vmem>>, %arg2: memref<6x4096xf32, #tpu.memory_space<vmem>>, %arg3: memref<6x4096xf32, #tpu.memory_space<vmem>>, %arg4: memref<9x4096xf32, #tpu.memory_space<vmem>>, %arg5: memref<9x4096xf32, #tpu.memory_space<vmem>>, %arg6: memref<1x1xf32, #tpu.memory_space<smem>>) attributes {dimension_semantics = [], scalar_prefetch = 0 : i64, scratch_operands = 0 : i64, tpu.core_type = #tpu.core_type<tc>} {
    %get3A = arith.constant 0 : index
    %get3A_0 = arith.constant 0 : index
    %get3A_1 = vector.load %arg0[%get3A, %get3A_0] : memref<2x4096xf32, #tpu.memory_space<vmem>>, vector<1x4096xf32>
    %get3A_2 = arith.constant 1 : index
    %get3A_3 = arith.constant 0 : index
    %get3A_4 = vector.load %arg0[%get3A_2, %get3A_3] : memref<2x4096xf32, #tpu.memory_space<vmem>>, vector<1x4096xf32>
    %add3A = arith.addf %get3A_1, %get3A_4 : vector<1x4096xf32>
    %get3A_5 = arith.constant 0 : index
    %get3A_6 = arith.constant 0 : index
    %get3A_7 = vector.load %arg1[%get3A_5, %get3A_6] : memref<2x4096xf32, #tpu.memory_space<vmem>>, vector<1x4096xf32>
    %get3A_8 = arith.constant 1 : index
    %get3A_9 = arith.constant 0 : index
    %get3A_10 = vector.load %arg1[%get3A_8, %get3A_9] : memref<2x4096xf32, #tpu.memory_space<vmem>>, vector<1x4096xf32>
    %add3A_11 = arith.addf %get3A_7, %get3A_10 : vector<1x4096xf32>
    %max3A = arith.constant 1.000000e+00 : f32
    %max3A_12 = vector.broadcast %max3A : f32 to vector<1x4096xf32>
    %max3A_13 = arith.maximumf %add3A_11, %max3A_12 : vector<1x4096xf32>
    %div3A = arith.divf %add3A, %max3A_13 : vector<1x4096xf32>
    %reduce_sum3A = vector.shape_cast %div3A : vector<1x4096xf32> to vector<1x1x4096xf32>
    %reduce_sum3A_14 = arith.constant dense<0.000000e+00> : vector<1xf32>
    %reduce_sum3A_15 = vector.multi_reduction <add>, %reduce_sum3A, %reduce_sum3A_14 [1, 2] : vector<1x1x4096xf32> to vector<1xf32>
    %reduce_sum3A_16 = vector.shape_cast %reduce_sum3A_15 : vector<1xf32> to vector<1x1x1xf32>
    %reduce_sum3A_17 = vector.extract %reduce_sum3A_16[0, 0, 0] : f32 from vector<1x1x1xf32>
    %mul3A = arith.constant 2.44140625E-4 : f32
    %mul3A_18 = arith.mulf %reduce_sum3A_17, %mul3A : f32
    %get3A_19 = arith.constant 0 : index
    %get3A_20 = arith.constant 0 : index
    %get3A_21 = vector.load %arg2[%get3A_19, %get3A_20] : memref<6x4096xf32, #tpu.memory_space<vmem>>, vector<6x4096xf32>
    %get3A_22 = arith.constant 0 : index
    %get3A_23 = arith.constant 0 : index
    %get3A_24 = vector.load %arg3[%get3A_22, %get3A_23] : memref<6x4096xf32, #tpu.memory_space<vmem>>, vector<6x4096xf32>
    %sub3A = arith.subf %get3A_21, %get3A_24 : vector<6x4096xf32>
    %mul3A_25 = arith.mulf %sub3A, %sub3A : vector<6x4096xf32>
    %reduce_sum3A_26 = vector.shape_cast %mul3A_25 : vector<6x4096xf32> to vector<1x6x4096xf32>
    %reduce_sum3A_27 = arith.constant dense<0.000000e+00> : vector<1xf32>
    %reduce_sum3A_28 = vector.multi_reduction <add>, %reduce_sum3A_26, %reduce_sum3A_27 [1, 2] : vector<1x6x4096xf32> to vector<1xf32>
    %reduce_sum3A_29 = vector.shape_cast %reduce_sum3A_28 : vector<1xf32> to vector<1x1x1xf32>
    %reduce_sum3A_30 = vector.extract %reduce_sum3A_29[0, 0, 0] : f32 from vector<1x1x1xf32>
    %mul3A_31 = arith.constant 4.06901054E-5 : f32
    %mul3A_32 = arith.mulf %reduce_sum3A_30, %mul3A_31 : f32
    %get3A_33 = arith.constant 0 : index
    %get3A_34 = arith.constant 0 : index
    %get3A_35 = vector.load %arg4[%get3A_33, %get3A_34] : memref<9x4096xf32, #tpu.memory_space<vmem>>, vector<1x4096xf32>
    %integer_pow3A = arith.mulf %get3A_35, %get3A_35 : vector<1x4096xf32>
    %get3A_36 = arith.constant 1 : index
    %get3A_37 = arith.constant 0 : index
    %get3A_38 = vector.load %arg4[%get3A_36, %get3A_37] : memref<9x4096xf32, #tpu.memory_space<vmem>>, vector<1x4096xf32>
    %integer_pow3A_39 = arith.mulf %get3A_38, %get3A_38 : vector<1x4096xf32>
    %add3A_40 = arith.addf %integer_pow3A, %integer_pow3A_39 : vector<1x4096xf32>
    %get3A_41 = arith.constant 2 : index
    %get3A_42 = arith.constant 0 : index
    %get3A_43 = vector.load %arg4[%get3A_41, %get3A_42] : memref<9x4096xf32, #tpu.memory_space<vmem>>, vector<1x4096xf32>
    %integer_pow3A_44 = arith.mulf %get3A_43, %get3A_43 : vector<1x4096xf32>
    %add3A_45 = arith.addf %add3A_40, %integer_pow3A_44 : vector<1x4096xf32>
    %get3A_46 = arith.constant 0 : index
    %get3A_47 = arith.constant 0 : index
    %get3A_48 = vector.load %arg5[%get3A_46, %get3A_47] : memref<9x4096xf32, #tpu.memory_space<vmem>>, vector<1x4096xf32>
    %integer_pow3A_49 = arith.mulf %get3A_48, %get3A_48 : vector<1x4096xf32>
    %get3A_50 = arith.constant 1 : index
    %get3A_51 = arith.constant 0 : index
    %get3A_52 = vector.load %arg5[%get3A_50, %get3A_51] : memref<9x4096xf32, #tpu.memory_space<vmem>>, vector<1x4096xf32>
    %integer_pow3A_53 = arith.mulf %get3A_52, %get3A_52 : vector<1x4096xf32>
    %add3A_54 = arith.addf %integer_pow3A_49, %integer_pow3A_53 : vector<1x4096xf32>
    %get3A_55 = arith.constant 2 : index
    %get3A_56 = arith.constant 0 : index
    %get3A_57 = vector.load %arg5[%get3A_55, %get3A_56] : memref<9x4096xf32, #tpu.memory_space<vmem>>, vector<1x4096xf32>
    %integer_pow3A_58 = arith.mulf %get3A_57, %get3A_57 : vector<1x4096xf32>
    %add3A_59 = arith.addf %add3A_54, %integer_pow3A_58 : vector<1x4096xf32>
    %add3A_60 = arith.constant 9.99999996E-13 : f32
    %add3A_61 = vector.broadcast %add3A_60 : f32 to vector<1x4096xf32>
    %add3A_62 = arith.addf %add3A_45, %add3A_61 : vector<1x4096xf32>
    %sqrt3A = math.sqrt %add3A_62 : vector<1x4096xf32>
    %add3A_63 = arith.constant 9.99999996E-13 : f32
    %add3A_64 = vector.broadcast %add3A_63 : f32 to vector<1x4096xf32>
    %add3A_65 = arith.addf %add3A_59, %add3A_64 : vector<1x4096xf32>
    %sqrt3A_66 = math.sqrt %add3A_65 : vector<1x4096xf32>
    %sub3A_67 = arith.subf %sqrt3A, %sqrt3A_66 : vector<1x4096xf32>
    %mul3A_68 = arith.mulf %sub3A_67, %sub3A_67 : vector<1x4096xf32>
    %reduce_sum3A_69 = vector.shape_cast %mul3A_68 : vector<1x4096xf32> to vector<1x1x4096xf32>
    %reduce_sum3A_70 = arith.constant dense<0.000000e+00> : vector<1xf32>
    %reduce_sum3A_71 = vector.multi_reduction <add>, %reduce_sum3A_69, %reduce_sum3A_70 [1, 2] : vector<1x1x4096xf32> to vector<1xf32>
    %reduce_sum3A_72 = vector.shape_cast %reduce_sum3A_71 : vector<1xf32> to vector<1x1x1xf32>
    %reduce_sum3A_73 = vector.extract %reduce_sum3A_72[0, 0, 0] : f32 from vector<1x1x1xf32>
    %add3A_74 = arith.constant 0.000000e+00 : f32
    %add3A_75 = arith.addf %add3A_74, %reduce_sum3A_73 : f32
    %get3A_76 = arith.constant 3 : index
    %get3A_77 = arith.constant 0 : index
    %get3A_78 = vector.load %arg4[%get3A_76, %get3A_77] : memref<9x4096xf32, #tpu.memory_space<vmem>>, vector<1x4096xf32>
    %integer_pow3A_79 = arith.mulf %get3A_78, %get3A_78 : vector<1x4096xf32>
    %get3A_80 = arith.constant 4 : index
    %get3A_81 = arith.constant 0 : index
    %get3A_82 = vector.load %arg4[%get3A_80, %get3A_81] : memref<9x4096xf32, #tpu.memory_space<vmem>>, vector<1x4096xf32>
    %integer_pow3A_83 = arith.mulf %get3A_82, %get3A_82 : vector<1x4096xf32>
    %add3A_84 = arith.addf %integer_pow3A_79, %integer_pow3A_83 : vector<1x4096xf32>
    %get3A_85 = arith.constant 5 : index
    %get3A_86 = arith.constant 0 : index
    %get3A_87 = vector.load %arg4[%get3A_85, %get3A_86] : memref<9x4096xf32, #tpu.memory_space<vmem>>, vector<1x4096xf32>
    %integer_pow3A_88 = arith.mulf %get3A_87, %get3A_87 : vector<1x4096xf32>
    %add3A_89 = arith.addf %add3A_84, %integer_pow3A_88 : vector<1x4096xf32>
    %get3A_90 = arith.constant 3 : index
    %get3A_91 = arith.constant 0 : index
    %get3A_92 = vector.load %arg5[%get3A_90, %get3A_91] : memref<9x4096xf32, #tpu.memory_space<vmem>>, vector<1x4096xf32>
    %integer_pow3A_93 = arith.mulf %get3A_92, %get3A_92 : vector<1x4096xf32>
    %get3A_94 = arith.constant 4 : index
    %get3A_95 = arith.constant 0 : index
    %get3A_96 = vector.load %arg5[%get3A_94, %get3A_95] : memref<9x4096xf32, #tpu.memory_space<vmem>>, vector<1x4096xf32>
    %integer_pow3A_97 = arith.mulf %get3A_96, %get3A_96 : vector<1x4096xf32>
    %add3A_98 = arith.addf %integer_pow3A_93, %integer_pow3A_97 : vector<1x4096xf32>
    %get3A_99 = arith.constant 5 : index
    %get3A_100 = arith.constant 0 : index
    %get3A_101 = vector.load %arg5[%get3A_99, %get3A_100] : memref<9x4096xf32, #tpu.memory_space<vmem>>, vector<1x4096xf32>
    %integer_pow3A_102 = arith.mulf %get3A_101, %get3A_101 : vector<1x4096xf32>
    %add3A_103 = arith.addf %add3A_98, %integer_pow3A_102 : vector<1x4096xf32>
    %add3A_104 = arith.constant 9.99999996E-13 : f32
    %add3A_105 = vector.broadcast %add3A_104 : f32 to vector<1x4096xf32>
    %add3A_106 = arith.addf %add3A_89, %add3A_105 : vector<1x4096xf32>
    %sqrt3A_107 = math.sqrt %add3A_106 : vector<1x4096xf32>
    %add3A_108 = arith.constant 9.99999996E-13 : f32
    %add3A_109 = vector.broadcast %add3A_108 : f32 to vector<1x4096xf32>
    %add3A_110 = arith.addf %add3A_103, %add3A_109 : vector<1x4096xf32>
    %sqrt3A_111 = math.sqrt %add3A_110 : vector<1x4096xf32>
    %sub3A_112 = arith.subf %sqrt3A_107, %sqrt3A_111 : vector<1x4096xf32>
    %mul3A_113 = arith.mulf %sub3A_112, %sub3A_112 : vector<1x4096xf32>
    %reduce_sum3A_114 = vector.shape_cast %mul3A_113 : vector<1x4096xf32> to vector<1x1x4096xf32>
    %reduce_sum3A_115 = arith.constant dense<0.000000e+00> : vector<1xf32>
    %reduce_sum3A_116 = vector.multi_reduction <add>, %reduce_sum3A_114, %reduce_sum3A_115 [1, 2] : vector<1x1x4096xf32> to vector<1xf32>
    %reduce_sum3A_117 = vector.shape_cast %reduce_sum3A_116 : vector<1xf32> to vector<1x1x1xf32>
    %reduce_sum3A_118 = vector.extract %reduce_sum3A_117[0, 0, 0] : f32 from vector<1x1x1xf32>
    %add3A_119 = arith.addf %add3A_75, %reduce_sum3A_118 : f32
    %get3A_120 = arith.constant 6 : index
    %get3A_121 = arith.constant 0 : index
    %get3A_122 = vector.load %arg4[%get3A_120, %get3A_121] : memref<9x4096xf32, #tpu.memory_space<vmem>>, vector<1x4096xf32>
    %integer_pow3A_123 = arith.mulf %get3A_122, %get3A_122 : vector<1x4096xf32>
    %get3A_124 = arith.constant 7 : index
    %get3A_125 = arith.constant 0 : index
    %get3A_126 = vector.load %arg4[%get3A_124, %get3A_125] : memref<9x4096xf32, #tpu.memory_space<vmem>>, vector<1x4096xf32>
    %integer_pow3A_127 = arith.mulf %get3A_126, %get3A_126 : vector<1x4096xf32>
    %add3A_128 = arith.addf %integer_pow3A_123, %integer_pow3A_127 : vector<1x4096xf32>
    %get3A_129 = arith.constant 8 : index
    %get3A_130 = arith.constant 0 : index
    %get3A_131 = vector.load %arg4[%get3A_129, %get3A_130] : memref<9x4096xf32, #tpu.memory_space<vmem>>, vector<1x4096xf32>
    %integer_pow3A_132 = arith.mulf %get3A_131, %get3A_131 : vector<1x4096xf32>
    %add3A_133 = arith.addf %add3A_128, %integer_pow3A_132 : vector<1x4096xf32>
    %get3A_134 = arith.constant 6 : index
    %get3A_135 = arith.constant 0 : index
    %get3A_136 = vector.load %arg5[%get3A_134, %get3A_135] : memref<9x4096xf32, #tpu.memory_space<vmem>>, vector<1x4096xf32>
    %integer_pow3A_137 = arith.mulf %get3A_136, %get3A_136 : vector<1x4096xf32>
    %get3A_138 = arith.constant 7 : index
    %get3A_139 = arith.constant 0 : index
    %get3A_140 = vector.load %arg5[%get3A_138, %get3A_139] : memref<9x4096xf32, #tpu.memory_space<vmem>>, vector<1x4096xf32>
    %integer_pow3A_141 = arith.mulf %get3A_140, %get3A_140 : vector<1x4096xf32>
    %add3A_142 = arith.addf %integer_pow3A_137, %integer_pow3A_141 : vector<1x4096xf32>
    %get3A_143 = arith.constant 8 : index
    %get3A_144 = arith.constant 0 : index
    %get3A_145 = vector.load %arg5[%get3A_143, %get3A_144] : memref<9x4096xf32, #tpu.memory_space<vmem>>, vector<1x4096xf32>
    %integer_pow3A_146 = arith.mulf %get3A_145, %get3A_145 : vector<1x4096xf32>
    %add3A_147 = arith.addf %add3A_142, %integer_pow3A_146 : vector<1x4096xf32>
    %add3A_148 = arith.constant 9.99999996E-13 : f32
    %add3A_149 = vector.broadcast %add3A_148 : f32 to vector<1x4096xf32>
    %add3A_150 = arith.addf %add3A_133, %add3A_149 : vector<1x4096xf32>
    %sqrt3A_151 = math.sqrt %add3A_150 : vector<1x4096xf32>
    %add3A_152 = arith.constant 9.99999996E-13 : f32
    %add3A_153 = vector.broadcast %add3A_152 : f32 to vector<1x4096xf32>
    %add3A_154 = arith.addf %add3A_147, %add3A_153 : vector<1x4096xf32>
    %sqrt3A_155 = math.sqrt %add3A_154 : vector<1x4096xf32>
    %sub3A_156 = arith.subf %sqrt3A_151, %sqrt3A_155 : vector<1x4096xf32>
    %mul3A_157 = arith.mulf %sub3A_156, %sub3A_156 : vector<1x4096xf32>
    %reduce_sum3A_158 = vector.shape_cast %mul3A_157 : vector<1x4096xf32> to vector<1x1x4096xf32>
    %reduce_sum3A_159 = arith.constant dense<0.000000e+00> : vector<1xf32>
    %reduce_sum3A_160 = vector.multi_reduction <add>, %reduce_sum3A_158, %reduce_sum3A_159 [1, 2] : vector<1x1x4096xf32> to vector<1xf32>
    %reduce_sum3A_161 = vector.shape_cast %reduce_sum3A_160 : vector<1xf32> to vector<1x1x1xf32>
    %reduce_sum3A_162 = vector.extract %reduce_sum3A_161[0, 0, 0] : f32 from vector<1x1x1xf32>
    %add3A_163 = arith.addf %add3A_119, %reduce_sum3A_162 : f32
    %mul3A_164 = arith.constant 8.13802107E-5 : f32
    %mul3A_165 = arith.mulf %add3A_163, %mul3A_164 : f32
    %add3A_166 = arith.addf %mul3A_18, %mul3A_32 : f32
    %add3A_167 = arith.addf %add3A_166, %mul3A_165 : f32
    %swap3A = arith.constant 0 : index
    %swap3A_168 = arith.constant 0 : index
    %swap3A_169 = memref.load %arg6[%swap3A, %swap3A_168] : memref<1x1xf32, #tpu.memory_space<smem>>
    memref.store %add3A_167, %arg6[%swap3A, %swap3A_168] : memref<1x1xf32, #tpu.memory_space<smem>>
    return
  }
}

</mosaic_0001>

<sc_bundles>
// kernel: kernel.6.cloned.1.call-start
scs
__scs_entry_jumppad:
0x0: {  	(pc) =	sbr.rel $0x88, $3  }
0x1: {  	(tag) =	ssettag $0x0;
	lr =	simm.s32 $0x1  }
0x2: {  	[smem:$0x3F98] =	sst lr;
	_ =	strace $0xD0000000  }
0x3: {  	_ = 	snop  }
0x4: {  	_ = 	snop  }
0x5: {  	_ = 	snop  }
0x6: {  	_ = 	snop  }
0x7: {  	_ = 	snop  }
__scs_overlays_trampoline_lowered:
0x8: {  	[smem:$0x3FA7] =	sst s0  }
0x9: {  	[smem:$0x3FA8] =	sst s1  }
0xa: {  	[smem:$0x3FA9] =	sst s2  }
0xb: {  	[smem:$0x3FAA] =	sst s3  }
0xc: {  	[smem:$0x3FAB] =	sst s4  }
0xd: {  	[smem:$0x3FAC] =	sst s5  }
0xe: {  	[smem:$0x3FAD] =	sst s6  }
0xf: {  	[smem:$0x3FAE] =	sst s7  }
0x10: {  	[smem:$0x3FAF] =	sst s8  }
0x11: {  	[smem:$0x3FB0] =	sst s9;
	s0 =	simm.s32 @!p0 $0x0  }
0x12: {  	s1 =	sld [smem:$0x3F96];
	s0 =	simm.s32 @p0 $0x1  }
0x13: {  	[smem:$0x3FB1] =	sst s0;
	s0 =	simm.s32 @!p1 $0x0  }
0x14: {  	s2 =	sld [smem:$0x3F95];
	s0 =	simm.s32 @p1 $0x1  }
0x15: {  	[smem:$0x3FB2] =	sst s0;
	s0 =	simm.s32 @!p2 $0x0  }
0x16: {  	s3 =	sld [smem:$0x3FDB];
	s0 =	simm.s32 @p2 $0x1  }
0x17: {  	s4 =	simm.s32 $0x1BF5;
	[smem:$0x3FB4] =	sst s0  }
0x18: {  	s0 =	sld [smem:$0x3F97];
	_ =	swait.ge [sflag:s4], $0x0  }
0x19: {  	s7 =	sld [smem:$0x3F98]  }
0x1a: {  	s8 =	sadd.s32 $0xFFFFE003, lr  }
0x1b: {  	s9 =	sadd.s32 $0xFFFFFEF7, lr;
	s5 =	simm.s32 $0xFFFFFFFF;
	p2 =	slt.u32 s8, $0xFFFFF086  }
0x1c: {  	p1 =	slt.u32 s9, $0xF7A;
	s5 =	simm.s32 @!p2 $0x0  }
0x1d: {  	s5 =	simm.s32 @p1 $0x1;
	p0 =	seq.s32 s7, s2  }
0x1e: {  	s7 =	smul.u32 @!p0 $0xF7A, s2;
	p2 =	seq.s32 @!p0 s5, $0x0  }
0x1f: {  	s9 =	smul.u32 $0xF7A, s1;
	s8 =	simm.s32 @!p0 $0x1BF5;
	p2 =	por !p2, p0  }
0x20: {  	[sflag:s8] =	ssyncset.s32 @!p0 $0xFFFFF086;
	s6 =	sadd.s32 @!p0 s3, s7;
	s7 =	simm.s32 @!p0 $0x108  }
0x21: {  	s3 =	sadd.s32 s3, s9;
	s6 =	sadd.s32 @!p0 $0x88, s6;
	s7 =	simm.s32 @p2 $0x1082  }
0x22: {  	[simem:s7], [sflag:s8] =	dma.local @!p0 [hbm:s6], $0xF7A  }
0x23: {  	s9 =	sor.u32 $0xD0000000, s2;
	s6 =	simm.s32 $0x108;
	_ =	swait.ge @!p0 [sflag:s8], $0x0  }
0x24: {  	s3 =	sadd.s32 $0x88, s3;
	s6 =	simm.s32 @!p1 $0x1082;
	[sflag:s4] =	ssyncset.s32 $0xFFFFF086  }
0x25: {  	[simem:s6], [sflag:s4] =	dma.local [hbm:s3], $0xF7A  }
0x26: {  	[smem:$0x3F98] =	sst s1;
	(tag) =	ssettag s2;
	_ =	strace s9  }
0x27: {  	s1 =	sld [smem:$0x3FA8]  }
0x28: {  	s2 =	sld [smem:$0x3FA9]  }
0x29: {  	s4 =	sld [smem:$0x3FAB]  }
0x2a: {  	p0 =	seq.s32 s5, $0x0;
	s5 =	sld [smem:$0x3FAC]  }
0x2b: {  	s6 =	sld [smem:$0x3FAD]  }
0x2c: {  	s7 =	sld [smem:$0x3FAE]  }
0x2d: {  	s3 =	simm.s32 $0x108;
	s8 =	sld [smem:$0x3FAF]  }
0x2e: {  	s3 =	simm.s32 @!p0 $0x1082;
	s9 =	sld [smem:$0x3FB0]  }
0x2f: {  	lr =	sadd.s32 s0, s3;
	s0 =	sld [smem:$0x3FA7]  }
0x30: {  	s3 =	sld [smem:$0x3FAA]  }
0x31: {  	[smem:$0x3FB3] =	sst s10  }
0x32: {  	s10 =	sld [smem:$0x3FB1];
	_ =	sdelay $0x3  }
0x33: {  	p0 =	seq.s32 s10, $0x1;
	s10 =	sld [smem:$0x3FB3];
	_ =	sdelay $0x3  }
0x34: {  	[smem:$0x3FB3] =	sst s10  }
0x35: {  	s10 =	sld [smem:$0x3FB2];
	_ =	sdelay $0x3  }
0x36: {  	p1 =	seq.s32 s10, $0x1;
	s10 =	sld [smem:$0x3FB3];
	_ =	sdelay $0x3  }
0x37: {  	[smem:$0x3FB3] =	sst s10  }
0x38: {  	s10 =	sld [smem:$0x3FB4]  }
0x39: {  	_ = 	snop;
	(pc) =	sbr.ind lr, $3  }
0x3a: {  	_ = 	snop  }
0x3b: {  	_ = 	snop  }
0x3c: {  	p2 =	seq.s32 s10, $0x1;
	s10 =	sld [smem:$0x3FB3]  }
0x3d: {  	_ =	shalt  }
0x3e: {  	_ =	shalt  }
0x3f: {  	_ =	shalt  }
0x40: {  	_ =	shalt  }
0x41: {  	_ =	shalt  }
0x42: {  	_ =	shalt  }
0x43: {  	_ =	shalt  }
0x44: {  	_ =	shalt  }
0x45: {  	_ =	shalt  }
0x46: {  	_ =	shalt  }
0x47: {  	_ =	shalt  }
0x48: {  	_ =	shalt  }
0x49: {  	_ =	shalt  }
0x4a: {  	_ =	shalt  }
0x4b: {  	_ =	shalt  }
0x4c: {  	_ =	shalt  }
0x4d: {  	_ =	shalt  }
0x4e: {  	_ =	shalt  }
0x4f: {  	_ =	shalt  }
0x50: {  	_ =	shalt  }
0x51: {  	_ =	shalt  }
0x52: {  	_ =	shalt  }
0x53: {  	_ =	shalt  }
0x54: {  	_ =	shalt  }
0x55: {  	_ =	shalt  }
0x56: {  	_ =	shalt  }
0x57: {  	_ =	shalt  }
0x58: {  	_ =	shalt  }
0x59: {  	_ =	shalt  }
0x5a: {  	_ =	shalt  }
0x5b: {  	_ =	shalt  }
0x5c: {  	_ =	shalt  }
0x5d: {  	_ =	shalt  }
0x5e: {  	_ =	shalt  }
0x5f: {  	_ =	shalt  }
0x60: {  	_ =	shalt  }
0x61: {  	_ =	shalt  }
0x62: {  	_ =	shalt  }
0x63: {  	_ =	shalt  }
0x64: {  	_ =	shalt  }
0x65: {  	_ =	shalt  }
0x66: {  	_ =	shalt  }
0x67: {  	_ =	shalt  }
0x68: {  	_ =	shalt  }
0x69: {  	_ =	shalt  }
0x6a: {  	_ =	shalt  }
0x6b: {  	_ =	shalt  }
0x6c: {  	_ =	shalt  }
0x6d: {  	_ =	shalt  }
0x6e: {  	_ =	shalt  }
0x6f: {  	_ =	shalt  }
0x70: {  	_ =	shalt  }
0x71: {  	_ =	shalt  }
0x72: {  	_ =	shalt  }
0x73: {  	_ =	shalt  }
0x74: {  	_ =	shalt  }
0x75: {  	_ =	shalt  }
0x76: {  	_ =	shalt  }
0x77: {  	_ =	shalt  }
0x78: {  	_ =	shalt  }
0x79: {  	_ =	shalt  }
0x7a: {  	_ =	shalt  }
0x7b: {  	_ =	shalt  }
0x7c: {  	_ =	shalt  }
0x7d: {  	_ =	shalt  }
0x7e: {  	_ =	shalt  }
0x7f: {  	_ =	shalt  }
0x80: {  	_ =	shalt  }
0x81: {  	_ =	shalt  }
0x82: {  	_ =	shalt  }
0x83: {  	_ =	shalt  }
0x84: {  	_ =	shalt  }
0x85: {  	_ =	shalt  }
0x86: {  	_ =	shalt  }
0x87: {  	_ =	shalt  }
.Lfunc_end0:
.L_simem_size_0:
called_computation_lowered:
.L_overlay_start_0:
0x88: {  	s2 =	sld [smem:$0x3FD9]  }
0x89: {  	s3 =	sld [smem:$0x3FFE];
	_ =	sdelay $0x1  }
0x8a: {  	s1 =	srdreg.scid  }
0x8b: {  	s0 =	sand.u32 $0x1, s1  }
0x8c: {  	s17 =	sshll.u32 s0, $0xA;
	s2 =	sadd.s32 s3, s2  }
0x8d: {  	s2 =	sadd.s32 s2, s17  }
0x8e: {  	[smem:$0x3FBF] =	sst s2  }
0x8f: {  	_ = 	snop  }
0x90: {  	s2 =	sld [smem:$0x3FC2];
	(tm) =	ssettm $0x1  }
0x91: {  	s18 =	sld [smem:$0x3FFB];
	_ =	sdelay $0x3  }
0x92: {  	_ =	strace s18  }
0x93: {  	s3 =	sld [smem:$0x3FFC];
	_ =	sdelay $0x3  }
0x94: {  	_ =	strace s3  }
0x95: {  	s3 =	sld [smem:$0x3FFD];
	_ =	sdelay $0x3  }
0x96: {  	_ =	strace s3  }
0x97: {  	_ =	strace $0x8FFFFFFF  }
0x98: {  	s19 =	sld [smem:$0x3FDB];
	_ =	sdelay $0x1  }
0x99: {  	s4 =	simm.s32 $_scs_section_size  }
0x9a: {  	s5 =	simm.s32 $_size__tile_overlayer_lowered;
	s6 =	simm.s32 $_tile_overlayer_lowered  }
0x9b: {  	s22 =	simm.s32 $0x1BFF;
	s21 =	sshll.u32 s6, $0x1;
	s3 =	sadd.s32 s4, s19  }
0x9c: {  	s7 =	simm.s32 $0x0;
	s20 =	sshll.u32 s5, $0x1;
	s5 =	sadd.s32 s21, s3  }
0x9d: {  	[timem:s7], [sflag:s22] =	dma.local [hbm:s5], s20  }
0x9e: {  	_ =	swait.ge [sflag:s22], s20  }
0x9f: {  	s4 =	ssub.s32 $0x0, s20;
	[sflag:s22] =	ssyncset.done $0x0  }
0xa0: {  	[sflag:s22] =	ssyncadd.s32 s4;
	_ =	sdelay $0x1  }
0xa1: {  	s23 =	simm.s32 $0x1B8B  }
0xa2: {  	_ =	swait.ge [sflag:s23], $0x1  }
0xa3: {  	[sflag:s23] =	ssyncset.done $0x0  }
0xa4: {  	s25 =	simm.s32 $0x1B8E;
	s24 =	sld [smem:$0x3FFE];
	[sflag:s23] =	ssyncadd.s32 $0xFFFFFFFF  }
0xa5: {  	s26 =	simm.s32 $execute0_lowered;
	[smem:$0x3FD2] =	sst s25  }
0xa6: {  	s5 =	sshll.u32 s26, $0x1;
	_ =	strace $0x80000046;
	[dreg:$0x1] =	wrdreg $0xFFFFFFFF  }
0xa7: {  	s28 =	simm.s32 $_size_execute0_lowered;
	s3 =	sadd.s32 s3, s5;
	[dreg:$0x0] =	wrdreg $0x0  }
0xa8: {  	s5 =	sshll.u32 s28, $0x1;
	[dreg:$0x2] =	wrdreg s3  }
0xa9: {  	[dreg:$0x3] =	wrdreg s5  }
0xaa: {  	[dreg:$0x4] =	wrdreg $0xC0  }
0xab: {  	_ =	task [dreg:s7], $0x5FFFF  }
0xac: {  	[dreg:$0x1] =	wrdreg $0xFFFFFFFF  }
0xad: {  	[dreg:$0x0] =	wrdreg $0x60  }
0xae: {  	[dreg:$0x2] =	wrdreg s2  }
0xaf: {  	[dreg:$0x3] =	wrdreg s24  }
0xb0: {  	[dreg:$0x4] =	wrdreg $0x21000  }
0xb1: {  	[dreg:$0x5] =	wrdreg $0x9  }
0xb2: {  	_ =	task.clear_ibuf [dreg:s7], $0x6FFFF;
	_ =	strace $0x90000046  }
0xb3: {  	s29 =	simm.s32 $0x9;
	_ =	strace $0x80000048  }
0xb4: {  	_ =	swait.ge [sflag:s29], $0x1  }
0xb5: {  	[sflag:s29] =	ssyncadd.s32 $0xFFFFFFFF  }
0xb6: {  	_ =	strace $0x90000048  }
0xb7: {  	_ =	sfence  }
0xb8: {  	s30 =	sld [smem:$0x0];
	_ =	sdelay $0x2  }
0xb9: {  	s31 =	sshll.u32 s1, $0xD;
	s1 =	sshrl.u32 s1, $0x2  }
0xba: {  	s3 =	sand.u32 $0x4000, s31;
	s1 =	sadd.s32 s1, s30  }
0xbb: {  	s0 =	sor.u32 s3, s0;
	s1 =	sshll.u32 s1, $0x11  }
0xbc: {  	s0 =	sor.u32 s1, s0  }
0xbd: {  	s0 =	sadd.s32 $0x8F2B, s0  }
0xbe: {  	[sflag:s0] =	ssyncadd.remote.s32 $0x1  }
0xbf: {  	_ =	sfence.sel $0xFFFF  }
0xc0: {  	[dreg:$0x0] =	wrdreg $0xFFFFFFFF;
	(pc) =	sbr.abs _section_cstart, $3  }
0xc1: {  	[dreg:$0x1] =	wrdreg $0xFFFFFFFF  }
0xc2: {  	_ =	task.clear_ibuf [dreg:s7], $0x2FFFF;
	_ =	strace $0x9FFFFFFF  }
0xc3: {  	(tm) =	ssettm $0x7FFFFFFF  }
tec
execute0_lowered:
.L_overlay_start_1:
0x0: {  	(tag) =	ssettag $0x1  }
0x1: {  	s3 =	rddreg [dreg:$0x0]  }
0x2: {  	s8 =	rddreg [dreg:$0x1]  }
0x3: {  	s2 =	rddreg [dreg:$0x2];
	s4 =	srdreg.scid  }
0x4: {  	s0 =	rddreg [dreg:$0x3];
	s1 =	stileid.u32;
	s9 =	sand.u32 $0x1, s4  }
0x5: {  	s4 =	simm.s32 $0x0;
	s6 =	sshll.u32 s1, $0x9;
	s5 =	sshll.u32 s9, $0xD  }
0x6: {  	[smem:$0x7FF] =	sst s4;
	s5 =	sor.u32 s6, s5  }
0x7: {  	_ =	strace $0x80000047;
	s6 =	sadd.s32 s3, s5;
	s3 =	simm.s32 $0x2  }
0x8: {  	[tilespmem:s4], [sflag:$0x2] =	stream.linear.gather [hbm4b:s6+s4], $0x1000, $0x38;
	[tilespmem:$0x2200] =	vst v63  }
0x9: {  	_ =	swait.ge [sflag:s3], $0x1000  }
0xa: {  	s5 =	sadd.s32 s5, s8;
	[sflag:s3] =	ssyncset.done $0x0  }
0xb: {  	s7 =	sadd.s32 $0x1C00, s5;
	s5 =	simm.s32 $0x1000;
	[sflag:s3] =	ssyncadd.s32 $0xFFFFF000  }
0xc: {  	[tilespmem:s5], [sflag:$0x2] =	stream.linear.gather [hbm4b:s7+s4], $0x1000, $0x38;
	[tilespmem:$0x2200] =	vst v63  }
0xd: {  	_ =	swait.ge [sflag:s3], $0x1000  }
0xe: {  	[sflag:s3] =	ssyncset.done $0x0  }
0xf: {  	v0 =	vimm.f32 $0.0e+00;
	[sflag:s3] =	ssyncadd.s32 $0xFFFFF000  }
0x10: {  	[tilespmem:$0x20F0] =	vst v0  }
0x11: {  	[tilespmem:$0x20E0] =	vst v0  }
0x12: {  	[tilespmem:$0x20D0] =	vst v0  }
0x13: {  	[tilespmem:$0x20C0] =	vst v0  }
0x14: {  	s10 =	sshll.u32 s9, $0x4;
	s9 =	ssub.s32 $0x2, s9;
	[tilespmem:$0x20B0] =	vst v0  }
0x15: {  	s11 =	sshrl.u32 s9, $0x1;
	[tilespmem:$0x20A0] =	vst v0  }
0x16: {  	s9 =	ssub.s32 s9, s11;
	[tilespmem:$0x2090] =	vst v0  }
0x17: {  	s16 =	smax.u32 s9, $0x1;
	[tilespmem:$0x2080] =	vst v0  }
0x18: {  	p0 =	sne.s32 s16, $0x1;
	[tilespmem:$0x2070] =	vst v0  }
.Ltmp0:
0x19: {  	s15 =	simm.s32 $0x2000;
	[tilespmem:$0x2060] =	vst v0;
	(pc) =	sbr.rel @!p0 .LBB2_2-.Ltmp0, $4  }
0x1a: {  	s13 =	simm.s32 $0x20;
	s14 =	simm.s32 $0x10;
	s12 =	sshll.u32 s1, $0x8;
	[tilespmem:$0x2050] =	vst v0  }
0x1b: {  	s31 =	sshll.u32 s1, $0x6;
	s12 =	sadd.s32 s12, s2;
	s8 =	sadd.s32 s10, s8;
	[tilespmem:$0x2040] =	vst v0  }
0x1c: {  	s10 =	sor.u32 $0x1C02, s31;
	s11 =	sshrl.u32 s12, $0x3;
	s8 =	sadd.s32 s31, s8;
	[tilespmem:$0x2030] =	vst v0  }
0x1d: {  	s9 =	simm.s32 $0x1;
	s8 =	sadd.s32 $0x5C00, s8;
	s16 =	sadd.s32 $0xFFFFFFFF, s16;
	[tilespmem:$0x2020] =	vst v0  }
.LBB2_1:
0x1e: {  	p0 =	sne.s32 s16, $0x1;
	s16 =	sadd.s32 $0xFFFFFFFF, s16;
	[tilespmem:$0x2000] =	vst v0  }
0x1f: {  	[tilespmem:$0x2010] =	vst v0  }
0x20: {  	[spmem:s12] =	stream.linear.scatter [tilespmem:s15], [sflag:$0x2], $0x100, $0x38;
	[tilespmem:$0x2200] =	vst v63  }
0x21: {  	_ =	swait.ge [sflag:s3], $0x100  }
0x22: {  	[sflag:s3] =	ssyncset.done $0x0  }
0x23: {  	[sflag:s3] =	ssyncadd.s32 $0xFFFFFF00  }
0x24: {  	[bflag:$0x0] =	sbarrier.arrive $0xFFFF  }
0x25: {  	[spmem:s2] =	stream.indirect.scatter.add.f32 [tilespmem:s5], [sflag:$0x1], $0x1, s4, s5, $0xb8;
	[tilespmem:$0x2200] =	vst v63  }
0x26: {  	_ =	swait.ge [sflag:s9], $0x1000  }
0x27: {  	[sflag:s9] =	ssyncset.done $0x0  }
0x28: {  	[sflag:s9] =	ssyncadd.s32 $0xFFFFF000  }
0x29: {  	[bflag:$0x0] =	sbarrier.arrive $0xFFFF  }
0x2a: {  	[hbm:s8@s13], [sflag:s10] =	dma.strided [spmem:s11@s14], $0x20, s9, $0x10   }
0x2b: {  	_ =	swait.ge [sflag:s3], $0x20  }
0x2c: {  	[sflag:s3] =	ssyncset.done $0x0  }
0x2d: {  	[sflag:s3] =	ssyncadd.s32 $0xFFFFFFE0  }
0x2e: {  	[tilespmem:s4], [sflag:$0x2] =	stream.linear.gather [hbm4b:s6+s4], $0x1000, $0x38;
	[tilespmem:$0x2200] =	vst v63  }
0x2f: {  	_ =	swait.ge [sflag:s3], $0x1000  }
0x30: {  	[sflag:s3] =	ssyncset.done $0x0  }
0x31: {  	[sflag:s3] =	ssyncadd.s32 $0xFFFFF000  }
0x32: {  	[tilespmem:s5], [sflag:$0x2] =	stream.linear.gather [hbm4b:s7+s4], $0x1000, $0x38;
	[tilespmem:$0x2200] =	vst v63  }
0x33: {  	_ =	swait.ge [sflag:s3], $0x1000  }
0x34: {  	[sflag:s3] =	ssyncset.done $0x0  }
0x35: {  	[sflag:s3] =	ssyncadd.s32 $0xFFFFF000  }
0x36: {  	[tilespmem:$0x20F0] =	vst v0  }
0x37: {  	[tilespmem:$0x20E0] =	vst v0  }
0x38: {  	[tilespmem:$0x20D0] =	vst v0  }
0x39: {  	[tilespmem:$0x20C0] =	vst v0  }
0x3a: {  	[tilespmem:$0x20B0] =	vst v0  }
0x3b: {  	[tilespmem:$0x20A0] =	vst v0  }
0x3c: {  	[tilespmem:$0x2090] =	vst v0  }
0x3d: {  	[tilespmem:$0x2080] =	vst v0  }
0x3e: {  	[tilespmem:$0x2070] =	vst v0  }
.Ltmp1:
0x3f: {  	[tilespmem:$0x2060] =	vst v0;
	(pc) =	sbr.rel @p0 .LBB2_1-.Ltmp1, $4  }
0x40: {  	[tilespmem:$0x2050] =	vst v0  }
0x41: {  	[tilespmem:$0x2040] =	vst v0  }
0x42: {  	[tilespmem:$0x2030] =	vst v0  }
0x43: {  	[tilespmem:$0x2020] =	vst v0  }
.LBB2_2:
0x44: {  	[tilespmem:$0x2000] =	vst v0  }
0x45: {  	[tilespmem:$0x2010] =	vst v0  }
0x46: {  	[spmem:s12] =	stream.linear.scatter [tilespmem:s15], [sflag:$0x2], $0x100, $0x38;
	[tilespmem:$0x2200] =	vst v63  }
0x47: {  	_ =	swait.ge [sflag:s3], $0x100  }
0x48: {  	[sflag:s3] =	ssyncset.done $0x0  }
0x49: {  	[sflag:s3] =	ssyncadd.s32 $0xFFFFFF00  }
0x4a: {  	[bflag:$0x0] =	sbarrier.arrive $0xFFFF  }
0x4b: {  	[spmem:s2] =	stream.indirect.scatter.add.f32 [tilespmem:s5], [sflag:$0x1], $0x1, s4, s5, $0xb8;
	[tilespmem:$0x2200] =	vst v63  }
0x4c: {  	_ =	swait.ge [sflag:s9], $0x1000  }
0x4d: {  	[sflag:s9] =	ssyncset.done $0x0  }
0x4e: {  	[sflag:s9] =	ssyncadd.s32 $0xFFFFF000  }
0x4f: {  	[bflag:$0x0] =	sbarrier.arrive $0xFFFF  }
0x50: {  	[hbm:s8@s13], [sflag:s10] =	dma.strided [spmem:s11@s14], $0x20, s9, $0x10   }
0x51: {  	_ =	swait.ge [sflag:s3], $0x20  }
0x52: {  	[sflag:s3] =	ssyncset.done $0x0  }
0x53: {  	[sflag:s3] =	ssyncadd.s32 $0xFFFFFFE0  }
0x54: {  	_ =	sfence.sel $0x180000  }
0x55: {  	[bflag:$0x0] =	sbarrier.arrive $0xFFFF  }
0x56: {  	p0 =	sne.s32 s1, $0x0;
	_ =	strace $0x90000047  }
0x57: {  	s0 =	sadd.s32 @!p0 $0x100000, s0;
	[bflag:$0x2] =	sbarrier.arrive $0xFFFF  }
0x58: {  	[sflag:s0] =	ssyncadd.tile.s32 @!p0 $0x1;
	_ =	shalt  }
.Lfunc_end2:
_tile_overlayer_lowered:
.L_overlay_start_2:
0x59: {  	(tag) =	ssettag $0x2  }
0x5a: {  	s0 =	rddreg [dreg:$0x0];
	s2 =	stileid.u32  }
0x5b: {  	s1 =	rddreg [dreg:$0x1];
	p0 =	sne.s32 s2, $0x0  }
0x5c: {  	s3 =	rddreg [dreg:$0x2];
	[bflag:$0x3] =	sbarrier.arrive $0xFFFF;
	s2 =	simm.s32 @!p0 $0x1C02  }
0x5d: {  	[timem:s3], [sflag:s2] =	dma.local @!p0 [hbm:s0], s1  }
0x5e: {  	s0 =	simm.s32 @!p0 $0x2  }
0x5f: {  	_ =	swait.ge @!p0 [sflag:s0], s1  }
0x60: {  	s1 =	ssub.s32 @!p0 $0x0, s1;
	[sflag:s0] =	ssyncset.done @!p0 $0x0  }
0x61: {  	[sflag:s0] =	ssyncadd.s32 @!p0 s1  }
0x62: {  	[bflag:$0x3] =	sbarrier.arrive $0xFFFF  }
0x63: {  	_ =	shalt  }

// kernel: kernel.9.cloned.1.call-start
scs
__scs_entry_jumppad:
0x0: {  	(pc) =	sbr.rel $0x88, $3  }
0x1: {  	(tag) =	ssettag $0x0;
	lr =	simm.s32 $0x1  }
0x2: {  	[smem:$0x3F98] =	sst lr;
	_ =	strace $0xD0000000  }
0x3: {  	_ = 	snop  }
0x4: {  	_ = 	snop  }
0x5: {  	_ = 	snop  }
0x6: {  	_ = 	snop  }
0x7: {  	_ = 	snop  }
__scs_overlays_trampoline_lowered:
0x8: {  	[smem:$0x3FA7] =	sst s0  }
0x9: {  	[smem:$0x3FA8] =	sst s1  }
0xa: {  	[smem:$0x3FA9] =	sst s2  }
0xb: {  	[smem:$0x3FAA] =	sst s3  }
0xc: {  	[smem:$0x3FAB] =	sst s4  }
0xd: {  	[smem:$0x3FAC] =	sst s5  }
0xe: {  	[smem:$0x3FAD] =	sst s6  }
0xf: {  	[smem:$0x3FAE] =	sst s7  }
0x10: {  	[smem:$0x3FAF] =	sst s8  }
0x11: {  	[smem:$0x3FB0] =	sst s9;
	s0 =	simm.s32 @!p0 $0x0  }
0x12: {  	s1 =	sld [smem:$0x3F96];
	s0 =	simm.s32 @p0 $0x1  }
0x13: {  	[smem:$0x3FB1] =	sst s0;
	s0 =	simm.s32 @!p1 $0x0  }
0x14: {  	s2 =	sld [smem:$0x3F95];
	s0 =	simm.s32 @p1 $0x1  }
0x15: {  	[smem:$0x3FB2] =	sst s0;
	s0 =	simm.s32 @!p2 $0x0  }
0x16: {  	s3 =	sld [smem:$0x3FDB];
	s0 =	simm.s32 @p2 $0x1  }
0x17: {  	s4 =	simm.s32 $0x1BF5;
	[smem:$0x3FB4] =	sst s0  }
0x18: {  	s0 =	sld [smem:$0x3F97];
	_ =	swait.ge [sflag:s4], $0x0  }
0x19: {  	s7 =	sld [smem:$0x3F98]  }
0x1a: {  	s8 =	sadd.s32 $0xFFFFE003, lr  }
0x1b: {  	s9 =	sadd.s32 $0xFFFFFEF7, lr;
	s5 =	simm.s32 $0xFFFFFFFF;
	p2 =	slt.u32 s8, $0xFFFFF086  }
0x1c: {  	p1 =	slt.u32 s9, $0xF7A;
	s5 =	simm.s32 @!p2 $0x0  }
0x1d: {  	s5 =	simm.s32 @p1 $0x1;
	p0 =	seq.s32 s7, s2  }
0x1e: {  	s7 =	smul.u32 @!p0 $0xF7A, s2;
	p2 =	seq.s32 @!p0 s5, $0x0  }
0x1f: {  	s9 =	smul.u32 $0xF7A, s1;
	s8 =	simm.s32 @!p0 $0x1BF5;
	p2 =	por !p2, p0  }
0x20: {  	[sflag:s8] =	ssyncset.s32 @!p0 $0xFFFFF086;
	s6 =	sadd.s32 @!p0 s3, s7;
	s7 =	simm.s32 @!p0 $0x108  }
0x21: {  	s3 =	sadd.s32 s3, s9;
	s6 =	sadd.s32 @!p0 $0x88, s6;
	s7 =	simm.s32 @p2 $0x1082  }
0x22: {  	[simem:s7], [sflag:s8] =	dma.local @!p0 [hbm:s6], $0xF7A  }
0x23: {  	s9 =	sor.u32 $0xD0000000, s2;
	s6 =	simm.s32 $0x108;
	_ =	swait.ge @!p0 [sflag:s8], $0x0  }
0x24: {  	s3 =	sadd.s32 $0x88, s3;
	s6 =	simm.s32 @!p1 $0x1082;
	[sflag:s4] =	ssyncset.s32 $0xFFFFF086  }
0x25: {  	[simem:s6], [sflag:s4] =	dma.local [hbm:s3], $0xF7A  }
0x26: {  	[smem:$0x3F98] =	sst s1;
	(tag) =	ssettag s2;
	_ =	strace s9  }
0x27: {  	s1 =	sld [smem:$0x3FA8]  }
0x28: {  	s2 =	sld [smem:$0x3FA9]  }
0x29: {  	s4 =	sld [smem:$0x3FAB]  }
0x2a: {  	p0 =	seq.s32 s5, $0x0;
	s5 =	sld [smem:$0x3FAC]  }
0x2b: {  	s6 =	sld [smem:$0x3FAD]  }
0x2c: {  	s7 =	sld [smem:$0x3FAE]  }
0x2d: {  	s3 =	simm.s32 $0x108;
	s8 =	sld [smem:$0x3FAF]  }
0x2e: {  	s3 =	simm.s32 @!p0 $0x1082;
	s9 =	sld [smem:$0x3FB0]  }
0x2f: {  	lr =	sadd.s32 s0, s3;
	s0 =	sld [smem:$0x3FA7]  }
0x30: {  	s3 =	sld [smem:$0x3FAA]  }
0x31: {  	[smem:$0x3FB3] =	sst s10  }
0x32: {  	s10 =	sld [smem:$0x3FB1];
	_ =	sdelay $0x3  }
0x33: {  	p0 =	seq.s32 s10, $0x1;
	s10 =	sld [smem:$0x3FB3];
	_ =	sdelay $0x3  }
0x34: {  	[smem:$0x3FB3] =	sst s10  }
0x35: {  	s10 =	sld [smem:$0x3FB2];
	_ =	sdelay $0x3  }
0x36: {  	p1 =	seq.s32 s10, $0x1;
	s10 =	sld [smem:$0x3FB3];
	_ =	sdelay $0x3  }
0x37: {  	[smem:$0x3FB3] =	sst s10  }
0x38: {  	s10 =	sld [smem:$0x3FB4]  }
0x39: {  	_ = 	snop;
	(pc) =	sbr.ind lr, $3  }
0x3a: {  	_ = 	snop  }
0x3b: {  	_ = 	snop  }
0x3c: {  	p2 =	seq.s32 s10, $0x1;
	s10 =	sld [smem:$0x3FB3]  }
0x3d: {  	_ =	shalt  }
0x3e: {  	_ =	shalt  }
0x3f: {  	_ =	shalt  }
0x40: {  	_ =	shalt  }
0x41: {  	_ =	shalt  }
0x42: {  	_ =	shalt  }
0x43: {  	_ =	shalt  }
0x44: {  	_ =	shalt  }
0x45: {  	_ =	shalt  }
0x46: {  	_ =	shalt  }
0x47: {  	_ =	shalt  }
0x48: {  	_ =	shalt  }
0x49: {  	_ =	shalt  }
0x4a: {  	_ =	shalt  }
0x4b: {  	_ =	shalt  }
0x4c: {  	_ =	shalt  }
0x4d: {  	_ =	shalt  }
0x4e: {  	_ =	shalt  }
0x4f: {  	_ =	shalt  }
0x50: {  	_ =	shalt  }
0x51: {  	_ =	shalt  }
0x52: {  	_ =	shalt  }
0x53: {  	_ =	shalt  }
0x54: {  	_ =	shalt  }
0x55: {  	_ =	shalt  }
0x56: {  	_ =	shalt  }
0x57: {  	_ =	shalt  }
0x58: {  	_ =	shalt  }
0x59: {  	_ =	shalt  }
0x5a: {  	_ =	shalt  }
0x5b: {  	_ =	shalt  }
0x5c: {  	_ =	shalt  }
0x5d: {  	_ =	shalt  }
0x5e: {  	_ =	shalt  }
0x5f: {  	_ =	shalt  }
0x60: {  	_ =	shalt  }
0x61: {  	_ =	shalt  }
0x62: {  	_ =	shalt  }
0x63: {  	_ =	shalt  }
0x64: {  	_ =	shalt  }
0x65: {  	_ =	shalt  }
0x66: {  	_ =	shalt  }
0x67: {  	_ =	shalt  }
0x68: {  	_ =	shalt  }
0x69: {  	_ =	shalt  }
0x6a: {  	_ =	shalt  }
0x6b: {  	_ =	shalt  }
0x6c: {  	_ =	shalt  }
0x6d: {  	_ =	shalt  }
0x6e: {  	_ =	shalt  }
0x6f: {  	_ =	shalt  }
0x70: {  	_ =	shalt  }
0x71: {  	_ =	shalt  }
0x72: {  	_ =	shalt  }
0x73: {  	_ =	shalt  }
0x74: {  	_ =	shalt  }
0x75: {  	_ =	shalt  }
0x76: {  	_ =	shalt  }
0x77: {  	_ =	shalt  }
0x78: {  	_ =	shalt  }
0x79: {  	_ =	shalt  }
0x7a: {  	_ =	shalt  }
0x7b: {  	_ =	shalt  }
0x7c: {  	_ =	shalt  }
0x7d: {  	_ =	shalt  }
0x7e: {  	_ =	shalt  }
0x7f: {  	_ =	shalt  }
0x80: {  	_ =	shalt  }
0x81: {  	_ =	shalt  }
0x82: {  	_ =	shalt  }
0x83: {  	_ =	shalt  }
0x84: {  	_ =	shalt  }
0x85: {  	_ =	shalt  }
0x86: {  	_ =	shalt  }
0x87: {  	_ =	shalt  }
.Lfunc_end0:
.L_simem_size_0:
called_computation.1_lowered:
.L_overlay_start_0:
0x88: {  	s2 =	sld [smem:$0x3FD9]  }
0x89: {  	s3 =	sld [smem:$0x3FFE];
	_ =	sdelay $0x1  }
0x8a: {  	s1 =	srdreg.scid  }
0x8b: {  	s0 =	sand.u32 $0x1, s1  }
0x8c: {  	s17 =	sshll.u32 s0, $0xA;
	s2 =	sadd.s32 s3, s2  }
0x8d: {  	s2 =	sadd.s32 s2, s17  }
0x8e: {  	[smem:$0x3FBF] =	sst s2  }
0x8f: {  	_ = 	snop  }
0x90: {  	s18 =	sld [smem:$0x3FC2];
	(tm) =	ssettm $0x1  }
0x91: {  	s19 =	sld [smem:$0x3FFB];
	_ =	sdelay $0x3  }
0x92: {  	_ =	strace s19  }
0x93: {  	s2 =	sld [smem:$0x3FFC];
	_ =	sdelay $0x3  }
0x94: {  	_ =	strace s2  }
0x95: {  	s2 =	sld [smem:$0x3FFD];
	_ =	sdelay $0x3  }
0x96: {  	_ =	strace s2  }
0x97: {  	_ =	strace $0x8FFFFFFF  }
0x98: {  	s20 =	sld [smem:$0x3FDB];
	_ =	sdelay $0x1  }
0x99: {  	s4 =	simm.s32 $_scs_section_size  }
0x9a: {  	s5 =	simm.s32 $_size__tile_overlayer_lowered;
	s6 =	simm.s32 $_tile_overlayer_lowered  }
0x9b: {  	s7 =	simm.s32 $0x1BFF;
	s21 =	sshll.u32 s6, $0x1;
	s4 =	sadd.s32 s4, s20  }
0x9c: {  	s22 =	simm.s32 $0x0;
	s5 =	sshll.u32 s5, $0x1;
	s6 =	sadd.s32 s21, s4  }
0x9d: {  	[timem:s22], [sflag:s7] =	dma.local [hbm:s6], s5  }
0x9e: {  	_ =	swait.ge [sflag:s7], s5  }
0x9f: {  	s5 =	ssub.s32 $0x0, s5;
	[sflag:s7] =	ssyncset.done $0x0  }
0xa0: {  	[sflag:s7] =	ssyncadd.s32 s5;
	_ =	sdelay $0x1  }
0xa1: {  	s23 =	simm.s32 $0x1B8B  }
0xa2: {  	_ =	swait.ge [sflag:s23], $0x1  }
0xa3: {  	[sflag:s23] =	ssyncset.done $0x0  }
0xa4: {  	[sflag:s23] =	ssyncadd.s32 $0xFFFFFFFF  }
0xa5: {  	s5 =	sld [smem:$0x0]  }
0xa6: {  	s6 =	sand.u32 $0xFFFFFFFE, s1  }
0xa7: {  	p0 =	sne.s32 s1, s6  }
0xa8: {  	s6 =	sshll.u32 @p0 s6, $0xE  }
0xa9: {  	s6 =	sadd.s32 @p0 $0x11B8D, s6;
	s7 =	sshll.u32 @p0 s5, $0x11  }
0xaa: {  	s6 =	sor.u32 @p0 s7, s6  }
0xab: {  	[sflag:s6] =	ssyncadd.remote.s32 @p0 $0x1;
	_ =	sdelay $0x1  }
0xac: {  	s6 =	simm.s32 @p0 $0x1B8D  }
0xad: {  	_ =	swait.eq @p0 [sflag:s6], $0x1  }
0xae: {  	[sflag:s6] =	ssyncadd.s32 @p0 $0xFFFFFFFF  }
0xaf: {  	s7 =	sshll.u32 @!p0 s1, $0xE  }
0xb0: {  	s7 =	sor.u32 @!p0 $0x4000, s7;
	s6 =	simm.s32 @!p0 $0x1B8D  }
0xb1: {  	s5 =	sshll.u32 @!p0 s5, $0x11;
	s7 =	sadd.s32 @!p0 $0x11B8D, s7;
	_ =	swait.eq @!p0 [sflag:s6], $0x1  }
0xb2: {  	s5 =	sor.u32 @!p0 s5, s7;
	[sflag:s6] =	ssyncadd.s32 @!p0 $0xFFFFFFFF  }
0xb3: {  	s25 =	simm.s32 $0x1B8E;
	s24 =	sld [smem:$0x3FFE];
	[sflag:s5] =	ssyncadd.remote.s32 @!p0 $0x1  }
0xb4: {  	s26 =	simm.s32 $execute0_lowered;
	[smem:$0x3FD2] =	sst s25  }
0xb5: {  	s6 =	sshll.u32 s26, $0x1;
	_ =	strace $0x80000049;
	[dreg:$0x1] =	wrdreg $0xFFFFFFFF  }
0xb6: {  	s28 =	simm.s32 $_size_execute0_lowered;
	s4 =	sadd.s32 s4, s6;
	[dreg:$0x0] =	wrdreg $0x0  }
0xb7: {  	s6 =	sshll.u32 s28, $0x1;
	[dreg:$0x2] =	wrdreg s4  }
0xb8: {  	[dreg:$0x3] =	wrdreg s6  }
0xb9: {  	[dreg:$0x4] =	wrdreg $0xC0  }
0xba: {  	_ =	task [dreg:s22], $0x5FFFF  }
0xbb: {  	[dreg:$0x1] =	wrdreg $0xFFFFFFFF  }
0xbc: {  	[dreg:$0x0] =	wrdreg $0x60  }
0xbd: {  	[dreg:$0x2] =	wrdreg s18  }
0xbe: {  	[dreg:$0x3] =	wrdreg s24  }
0xbf: {  	[dreg:$0x4] =	wrdreg $0x21000  }
0xc0: {  	[dreg:$0x5] =	wrdreg $0xA  }
0xc1: {  	_ =	task.clear_ibuf [dreg:s22], $0x6FFFF;
	_ =	strace $0x90000049  }
0xc2: {  	s29 =	simm.s32 $0xA;
	_ =	strace $0x8000004B  }
0xc3: {  	_ =	swait.ge [sflag:s29], $0x1  }
0xc4: {  	[sflag:s29] =	ssyncadd.s32 $0xFFFFFFFF  }
0xc5: {  	_ =	strace $0x9000004B  }
0xc6: {  	_ =	sfence  }
0xc7: {  	s30 =	sld [smem:$0x0];
	_ =	sdelay $0x2  }
0xc8: {  	s31 =	sshll.u32 s1, $0xD;
	s1 =	sshrl.u32 s1, $0x2  }
0xc9: {  	s4 =	sand.u32 $0x4000, s31;
	s1 =	sadd.s32 s1, s30  }
0xca: {  	s0 =	sor.u32 s4, s0;
	s1 =	sshll.u32 s1, $0x11  }
0xcb: {  	s0 =	sor.u32 s1, s0  }
0xcc: {  	s0 =	sadd.s32 $0x8F2B, s0  }
0xcd: {  	[sflag:s0] =	ssyncadd.remote.s32 $0x1  }
0xce: {  	_ =	sfence.sel $0xFFFF  }
0xcf: {  	[dreg:$0x0] =	wrdreg $0xFFFFFFFF;
	(pc) =	sbr.abs _section_cstart, $3  }
0xd0: {  	[dreg:$0x1] =	wrdreg $0xFFFFFFFF  }
0xd1: {  	_ =	task.clear_ibuf [dreg:s22], $0x2FFFF;
	_ =	strace $0x9FFFFFFF  }
0xd2: {  	(tm) =	ssettm $0x7FFFFFFF  }
0xd3: {  	_ =	shalt  }
tec
execute0_lowered:
.L_overlay_start_1:
0x0: {  	(tag) =	ssettag $0x1  }
0x1: {  	s3 =	rddreg [dreg:$0x0]  }
0x2: {  	s8 =	rddreg [dreg:$0x1]  }
0x3: {  	s2 =	rddreg [dreg:$0x2];
	s4 =	srdreg.scid  }
0x4: {  	s0 =	rddreg [dreg:$0x3];
	s1 =	stileid.u32;
	s9 =	sand.u32 $0x1, s4  }
0x5: {  	s4 =	simm.s32 $0x0;
	s6 =	sshll.u32 s1, $0x9;
	s5 =	sshll.u32 s9, $0xD  }
0x6: {  	[smem:$0x7FF] =	sst s4;
	s5 =	sor.u32 s6, s5  }
0x7: {  	_ =	strace $0x8000004A;
	s6 =	sadd.s32 s3, s5;
	s3 =	simm.s32 $0x2  }
0x8: {  	[tilespmem:s4], [sflag:$0x2] =	stream.linear.gather [hbm4b:s6+s4], $0x1000, $0x38;
	[tilespmem:$0x2200] =	vst v63  }
0x9: {  	_ =	swait.ge [sflag:s3], $0x1000  }
0xa: {  	s5 =	sadd.s32 s5, s8;
	[sflag:s3] =	ssyncset.done $0x0  }
0xb: {  	s7 =	sadd.s32 $0x6000, s5;
	s5 =	simm.s32 $0x1000;
	[sflag:s3] =	ssyncadd.s32 $0xFFFFF000  }
0xc: {  	[tilespmem:s5], [sflag:$0x2] =	stream.linear.gather [hbm4b:s7+s4], $0x1000, $0x38;
	[tilespmem:$0x2200] =	vst v63  }
0xd: {  	_ =	swait.ge [sflag:s3], $0x1000  }
0xe: {  	[sflag:s3] =	ssyncset.done $0x0  }
0xf: {  	v0 =	vimm.f32 $0.0e+00;
	[sflag:s3] =	ssyncadd.s32 $0xFFFFF000  }
0x10: {  	[tilespmem:$0x20F0] =	vst v0  }
0x11: {  	[tilespmem:$0x20E0] =	vst v0  }
0x12: {  	[tilespmem:$0x20D0] =	vst v0  }
0x13: {  	[tilespmem:$0x20C0] =	vst v0  }
0x14: {  	s10 =	sshll.u32 s9, $0x4;
	s9 =	ssub.s32 $0x2, s9;
	[tilespmem:$0x20B0] =	vst v0  }
0x15: {  	s11 =	sshrl.u32 s9, $0x1;
	[tilespmem:$0x20A0] =	vst v0  }
0x16: {  	s9 =	ssub.s32 s9, s11;
	[tilespmem:$0x2090] =	vst v0  }
0x17: {  	s16 =	smax.u32 s9, $0x1;
	[tilespmem:$0x2080] =	vst v0  }
0x18: {  	p0 =	sne.s32 s16, $0x1;
	[tilespmem:$0x2070] =	vst v0  }
.Ltmp0:
0x19: {  	s15 =	simm.s32 $0x2000;
	[tilespmem:$0x2060] =	vst v0;
	(pc) =	sbr.rel @!p0 .LBB2_2-.Ltmp0, $4  }
0x1a: {  	s13 =	simm.s32 $0x20;
	s14 =	simm.s32 $0x10;
	s12 =	sshll.u32 s1, $0x8;
	[tilespmem:$0x2050] =	vst v0  }
0x1b: {  	s31 =	sshll.u32 s1, $0x6;
	s12 =	sadd.s32 s12, s2;
	s8 =	sadd.s32 s10, s8;
	[tilespmem:$0x2040] =	vst v0  }
0x1c: {  	s10 =	sor.u32 $0x1C02, s31;
	s11 =	sshrl.u32 s12, $0x3;
	s8 =	sadd.s32 s31, s8;
	[tilespmem:$0x2030] =	vst v0  }
0x1d: {  	s9 =	simm.s32 $0x1;
	s8 =	sadd.s32 $0xA000, s8;
	s16 =	sadd.s32 $0xFFFFFFFF, s16;
	[tilespmem:$0x2020] =	vst v0  }
.LBB2_1:
0x1e: {  	p0 =	sne.s32 s16, $0x1;
	s16 =	sadd.s32 $0xFFFFFFFF, s16;
	[tilespmem:$0x2000] =	vst v0  }
0x1f: {  	[tilespmem:$0x2010] =	vst v0  }
0x20: {  	[spmem:s12] =	stream.linear.scatter [tilespmem:s15], [sflag:$0x2], $0x100, $0x38;
	[tilespmem:$0x2200] =	vst v63  }
0x21: {  	_ =	swait.ge [sflag:s3], $0x100  }
0x22: {  	[sflag:s3] =	ssyncset.done $0x0  }
0x23: {  	[sflag:s3] =	ssyncadd.s32 $0xFFFFFF00  }
0x24: {  	[bflag:$0x0] =	sbarrier.arrive $0xFFFF  }
0x25: {  	[spmem:s2] =	stream.indirect.scatter.add.f32 [tilespmem:s5], [sflag:$0x1], $0x1, s4, s5, $0xb8;
	[tilespmem:$0x2200] =	vst v63  }
0x26: {  	_ =	swait.ge [sflag:s9], $0x1000  }
0x27: {  	[sflag:s9] =	ssyncset.done $0x0  }
0x28: {  	[sflag:s9] =	ssyncadd.s32 $0xFFFFF000  }
0x29: {  	[bflag:$0x0] =	sbarrier.arrive $0xFFFF  }
0x2a: {  	[hbm:s8@s13], [sflag:s10] =	dma.strided [spmem:s11@s14], $0x20, s9, $0x10   }
0x2b: {  	_ =	swait.ge [sflag:s3], $0x20  }
0x2c: {  	[sflag:s3] =	ssyncset.done $0x0  }
0x2d: {  	[sflag:s3] =	ssyncadd.s32 $0xFFFFFFE0  }
0x2e: {  	[tilespmem:s4], [sflag:$0x2] =	stream.linear.gather [hbm4b:s6+s4], $0x1000, $0x38;
	[tilespmem:$0x2200] =	vst v63  }
0x2f: {  	_ =	swait.ge [sflag:s3], $0x1000  }
0x30: {  	[sflag:s3] =	ssyncset.done $0x0  }
0x31: {  	[sflag:s3] =	ssyncadd.s32 $0xFFFFF000  }
0x32: {  	[tilespmem:s5], [sflag:$0x2] =	stream.linear.gather [hbm4b:s7+s4], $0x1000, $0x38;
	[tilespmem:$0x2200] =	vst v63  }
0x33: {  	_ =	swait.ge [sflag:s3], $0x1000  }
0x34: {  	[sflag:s3] =	ssyncset.done $0x0  }
0x35: {  	[sflag:s3] =	ssyncadd.s32 $0xFFFFF000  }
0x36: {  	[tilespmem:$0x20F0] =	vst v0  }
0x37: {  	[tilespmem:$0x20E0] =	vst v0  }
0x38: {  	[tilespmem:$0x20D0] =	vst v0  }
0x39: {  	[tilespmem:$0x20C0] =	vst v0  }
0x3a: {  	[tilespmem:$0x20B0] =	vst v0  }
0x3b: {  	[tilespmem:$0x20A0] =	vst v0  }
0x3c: {  	[tilespmem:$0x2090] =	vst v0  }
0x3d: {  	[tilespmem:$0x2080] =	vst v0  }
0x3e: {  	[tilespmem:$0x2070] =	vst v0  }
.Ltmp1:
0x3f: {  	[tilespmem:$0x2060] =	vst v0;
	(pc) =	sbr.rel @p0 .LBB2_1-.Ltmp1, $4  }
0x40: {  	[tilespmem:$0x2050] =	vst v0  }
0x41: {  	[tilespmem:$0x2040] =	vst v0  }
0x42: {  	[tilespmem:$0x2030] =	vst v0  }
0x43: {  	[tilespmem:$0x2020] =	vst v0  }
.LBB2_2:
0x44: {  	[tilespmem:$0x2000] =	vst v0  }
0x45: {  	[tilespmem:$0x2010] =	vst v0  }
0x46: {  	[spmem:s12] =	stream.linear.scatter [tilespmem:s15], [sflag:$0x2], $0x100, $0x38;
	[tilespmem:$0x2200] =	vst v63  }
0x47: {  	_ =	swait.ge [sflag:s3], $0x100  }
0x48: {  	[sflag:s3] =	ssyncset.done $0x0  }
0x49: {  	[sflag:s3] =	ssyncadd.s32 $0xFFFFFF00  }
0x4a: {  	[bflag:$0x0] =	sbarrier.arrive $0xFFFF  }
0x4b: {  	[spmem:s2] =	stream.indirect.scatter.add.f32 [tilespmem:s5], [sflag:$0x1], $0x1, s4, s5, $0xb8;
	[tilespmem:$0x2200] =	vst v63  }
0x4c: {  	_ =	swait.ge [sflag:s9], $0x1000  }
0x4d: {  	[sflag:s9] =	ssyncset.done $0x0  }
0x4e: {  	[sflag:s9] =	ssyncadd.s32 $0xFFFFF000  }
0x4f: {  	[bflag:$0x0] =	sbarrier.arrive $0xFFFF  }
0x50: {  	[hbm:s8@s13], [sflag:s10] =	dma.strided [spmem:s11@s14], $0x20, s9, $0x10   }
0x51: {  	_ =	swait.ge [sflag:s3], $0x20  }
0x52: {  	[sflag:s3] =	ssyncset.done $0x0  }
0x53: {  	[sflag:s3] =	ssyncadd.s32 $0xFFFFFFE0  }
0x54: {  	_ =	sfence.sel $0x180000  }
0x55: {  	[bflag:$0x0] =	sbarrier.arrive $0xFFFF  }
0x56: {  	p0 =	sne.s32 s1, $0x0;
	_ =	strace $0x9000004A  }
0x57: {  	s0 =	sadd.s32 @!p0 $0x100000, s0;
	[bflag:$0x2] =	sbarrier.arrive $0xFFFF  }
0x58: {  	[sflag:s0] =	ssyncadd.tile.s32 @!p0 $0x1;
	_ =	shalt  }
.Lfunc_end2:
_tile_overlayer_lowered:
.L_overlay_start_2:
0x59: {  	(tag) =	ssettag $0x2  }
0x5a: {  	s0 =	rddreg [dreg:$0x0];
	s2 =	stileid.u32  }
0x5b: {  	s1 =	rddreg [dreg:$0x1];
	p0 =	sne.s32 s2, $0x0  }
0x5c: {  	s3 =	rddreg [dreg:$0x2];
	[bflag:$0x3] =	sbarrier.arrive $0xFFFF;
	s2 =	simm.s32 @!p0 $0x1C02  }
0x5d: {  	[timem:s3], [sflag:s2] =	dma.local @!p0 [hbm:s0], s1  }
0x5e: {  	s0 =	simm.s32 @!p0 $0x2  }
0x5f: {  	_ =	swait.ge @!p0 [sflag:s0], s1  }
0x60: {  	s1 =	ssub.s32 @!p0 $0x0, s1;
	[sflag:s0] =	ssyncset.done @!p0 $0x0  }
0x61: {  	[sflag:s0] =	ssyncadd.s32 @!p0 s1  }
0x62: {  	[bflag:$0x3] =	sbarrier.arrive $0xFFFF  }
0x63: {  	_ =	shalt  }

</sc_bundles>
